<compile_context>
chip_gen: v7x
topology: tpu7x:2x2x1
jax: 0.10.2.dev20260603
libtpu: 0.0.44.dev20260713+nightly
codegen_flags: <defaults>
</compile_context>

<pallas_src>
import functools

import jax
import jax.numpy as jnp
from jax.experimental import pallas as pl
from jax.experimental.pallas import tpu as pltpu
from jax.experimental.pallas import tpu_sc as plsc

_B = 16384
_D = 64
_NW = 32
_RPW = _B // _NW
_CH = 128
_NCH = _RPW // _CH


def _sc_gather(uid, iid, user_table, item_table):
    mesh = plsc.VectorSubcoreMesh(core_axis_name="core",
                                  subcore_axis_name="subcore")

    @functools.partial(
        pl.kernel,
        out_type=[pltpu.HBM((_B, _D), jnp.float32),
                  pltpu.HBM((_B, _D), jnp.float32)],
        mesh=mesh,
        scratch_types=[
            pltpu.VMEM((_RPW,), jnp.int32),
            pltpu.VMEM((_RPW,), jnp.int32),
            pltpu.VMEM((_CH, _D), jnp.float32),
            pltpu.VMEM((_CH, _D), jnp.float32),
            pltpu.SemaphoreType.DMA,
            pltpu.SemaphoreType.DMA,
        ],
    )
    def k(uid_hbm, iid_hbm, ut_hbm, it_hbm, u_hbm, v_hbm,
          uidx_s, iidx_s, ubuf, vbuf, usem, vsem):
        wid = jax.lax.axis_index("subcore") * 2 + jax.lax.axis_index("core")
        base = wid * _RPW
        pltpu.sync_copy(uid_hbm.at[pl.ds(base, _RPW)], uidx_s)
        pltpu.sync_copy(iid_hbm.at[pl.ds(base, _RPW)], iidx_s)

        @pl.loop(0, _NCH)
        def _(g):
            c = g * _CH

            @pl.loop(0, _CH // 16)
            def _(t):
                uvec = uidx_s[pl.ds(c + t * 16, 16)]
                ivec = iidx_s[pl.ds(c + t * 16, 16)]
                for j in range(16):
                    pltpu.async_copy(ut_hbm.at[pl.ds(uvec[j], 1)],
                                     ubuf.at[pl.ds(t * 16 + j, 1)], usem)
                    pltpu.async_copy(it_hbm.at[pl.ds(ivec[j], 1)],
                                     vbuf.at[pl.ds(t * 16 + j, 1)], vsem)

            pltpu.make_async_copy(ut_hbm.at[pl.ds(0, _CH)], ubuf, usem).wait()
            pltpu.make_async_copy(it_hbm.at[pl.ds(0, _CH)], vbuf, vsem).wait()
            pltpu.sync_copy(ubuf, u_hbm.at[pl.ds(base + c, _CH)])
            pltpu.sync_copy(vbuf, v_hbm.at[pl.ds(base + c, _CH)])

    return k(uid, iid, user_table, item_table)


def _bn_relu(h):
    one = jnp.ones((1, _B), jnp.float32)
    s = jnp.dot(one, h, preferred_element_type=jnp.float32)
    q = jnp.dot(one, h * h, preferred_element_type=jnp.float32)
    mean = s * (1.0 / _B)
    var = q * (1.0 / _B) - mean * mean
    a = jax.lax.rsqrt(var + 1e-5)
    return jnp.maximum(h * a - mean * a, 0.0)


def _mlp_body(u_ref, v_ref, w1a_ref, w1b_ref, b1_ref, w2_ref, b2_ref,
              w3_ref, b3_ref, w4_ref, b4_ref, out_ref):
    hp = jnp.float32
    h = (jnp.dot(u_ref[:], w1a_ref[:], preferred_element_type=hp)
         + jnp.dot(v_ref[:], w1b_ref[:], preferred_element_type=hp)
         + b1_ref[:])
    h = _bn_relu(h)
    h = jnp.dot(h, w2_ref[:], preferred_element_type=hp) + b2_ref[:]
    h = _bn_relu(h)
    h = jnp.dot(h, w3_ref[:], preferred_element_type=hp) + b3_ref[:]
    h = _bn_relu(h)
    z = jnp.dot(h, w4_ref[:], preferred_element_type=hp) + b4_ref[:]
    out_ref[:] = jax.nn.sigmoid(z) * 5.0 + 1.0


def _tc_mlp(u, v, W1a, W1b, b1, W2, b2, W3, b3, W4, b4):
    return pl.pallas_call(
        _mlp_body,
        out_shape=jax.ShapeDtypeStruct((_B, 1), jnp.float32),
        compiler_params=pltpu.CompilerParams(vmem_limit_bytes=67108864),
    )(u, v, W1a, W1b, b1, W2, b2, W3, b3, W4, b4)


def kernel(user_id, item_id, user_table, item_table,
           W1, b1, W2, b2, W3, b3, W4, b4):
    u, v = _sc_gather(user_id, item_id, user_table, item_table)
    return _tc_mlp(u, v, W1[:_D], W1[_D:], b1.reshape(1, -1),
                   W2, b2.reshape(1, -1), W3, b3.reshape(1, -1),
                   W4, b4.reshape(1, -1))

# --- scband reference (transcript-rebuilt; emitter-appended) ---
"""Pipeline reference for scband-neuronal-colaborative-filter-72009421685249 (READ-ONLY COPY).

The authoritative reference and input builder live on the scoring server;
editing this copy changes nothing except your own understanding.
"""

import jax, jax.numpy as jnp
import numpy as np


def _bn(x):
    # BatchNorm1d in training mode: batch statistics, gamma=1, beta=0, eps=1e-5
    mean = jnp.mean(x, axis=0, keepdims=True)
    var = jnp.var(x, axis=0, keepdims=True)
    return (x - mean) / jnp.sqrt(var + 1e-5)


def setup_inputs(seed: int = 0) -> dict:
    key = jax.random.key(seed)
    ks = jax.random.split(key, 14)
    B = 16384
    U = 1000000
    I = 100000
    D = 64
    user_id = jax.random.randint(ks[0], (B,), 0, U, dtype=jnp.int64 if jax.config.jax_enable_x64 else jnp.int32)
    item_id = jax.random.randint(ks[1], (B,), 0, I, dtype=jnp.int64 if jax.config.jax_enable_x64 else jnp.int32)
    user_table = jax.random.uniform(ks[2], (U, D), minval=-0.05, maxval=0.05, dtype=jnp.float32)
    item_table = jax.random.uniform(ks[3], (I, D), minval=-0.05, maxval=0.05, dtype=jnp.float32)
    # MLP: Linear(128->64), BN, ReLU, Linear(64->32), BN, ReLU, Linear(32->16), BN, ReLU, Linear(16->1), Sigmoid
    W1 = jax.random.normal(ks[4], (128, 64), dtype=jnp.float32) * (2.0 / 128) ** 0.5
    b1 = jnp.full((64,), 0.01, dtype=jnp.float32)
    W2 = jax.random.normal(ks[5], (64, 32), dtype=jnp.float32) * (2.0 / 64) ** 0.5
    b2 = jnp.full((32,), 0.01, dtype=jnp.float32)
    W3 = jax.random.normal(ks[6], (32, 16), dtype=jnp.float32) * (2.0 / 32) ** 0.5
    b3 = jnp.full((16,), 0.01, dtype=jnp.float32)
    W4 = jax.random.normal(ks[7], (16, 1), dtype=jnp.float32) * (2.0 / 16) ** 0.5
    b4 = jnp.full((1,), 0.01, dtype=jnp.float32)
    return {"user_id": user_id, "item_id": item_id, "user_table": user_table, "item_table": item_table,
            "W1": W1, "b1": b1, "W2": W2, "b2": b2, "W3": W3, "b3": b3, "W4": W4, "b4": b4}


def reference(user_id, item_id, user_table, item_table, W1, b1, W2, b2, W3, b3, W4, b4):
    # embedding lookups (SparseCore gather)
    u = jnp.take(user_table, user_id, axis=0)
    v = jnp.take(item_table, item_id, axis=0)
    x = jnp.concatenate([u, v], axis=1)
    x = jnp.maximum(_bn(x @ W1 + b1), 0.0)
    x = jnp.maximum(_bn(x @ W2 + b2), 0.0)
    x = jnp.maximum(_bn(x @ W3 + b3), 0.0)
    x = jax.nn.sigmoid(x @ W4 + b4)
    # normalized_output = x * norm_range + norm_min, output_range=(1,5) -> range=5, min=1
    return x * 5.0 + 1.0

if __name__ == "__main__":
    import jax
    _d = setup_inputs()
    print(jax.jit(kernel)(*tuple(_d.values())))

</pallas_src>

<mosaic_0001>
#map = affine_map<(d0, d1) -> (0)>
#map1 = affine_map<(d0, d1) -> (0, 0)>
module attributes {stable_mosaic.version = 14 : i64} {
  func.func @k(%arg0: i32, %arg1: i32, %arg2: memref<16384xi32, #tpu.memory_space<hbm>>, %arg3: memref<16384xi32, #tpu.memory_space<hbm>>, %arg4: memref<1000000x64xf32, #tpu.memory_space<hbm>>, %arg5: memref<100000x64xf32, #tpu.memory_space<hbm>>, %arg6: memref<16384x64xf32, #tpu.memory_space<hbm>>, %arg7: memref<16384x64xf32, #tpu.memory_space<hbm>>, %arg8: memref<512xi32, #tpu.memory_space<vmem>>, %arg9: memref<512xi32, #tpu.memory_space<vmem>>, %arg10: memref<128x64xf32, #tpu.memory_space<vmem>>, %arg11: memref<128x64xf32, #tpu.memory_space<vmem>>, %arg12: memref<!tpu.dma_semaphore, #tpu.memory_space<semaphore_mem>>, %arg13: memref<!tpu.dma_semaphore, #tpu.memory_space<semaphore_mem>>) attributes {dimension_semantics = [#tpu.dimension_semantics<core_parallel>, #tpu.dimension_semantics<subcore_parallel>], iteration_bounds = array<i64: 2, 16>, scalar_prefetch = 0 : i64, scratch_operands = 6 : i64, tpu.core_type = #tpu.core_type<sc_vector_subcore>, window_params = [{transform_indices = #map}, {transform_indices = #map}, {transform_indices = #map1}, {transform_indices = #map1}, {transform_indices = #map1}, {transform_indices = #map1}]} {
    %mul3A = arith.constant 2 : i32
    %mul3A_0 = arith.muli %arg1, %mul3A : i32
    %add3A = arith.addi %mul3A_0, %arg0 : i32
    %mul3A_1 = arith.constant 512 : i32
    %mul3A_2 = arith.muli %add3A, %mul3A_1 : i32
    "tpu.region"() ({
      %run_scoped3A = tpu.sem_alloc : memref<!tpu.dma_semaphore, #tpu.memory_space<semaphore_mem>>
      %dma_start3A = tpu.memref_slice %arg2[%mul3A_2] : memref<16384xi32, #tpu.memory_space<hbm>> -> memref<512xi32, #tpu.memory_space<hbm>>
      %dma_start3A_7 = tpu.memref_slice %arg2[%mul3A_2] : memref<16384xi32, #tpu.memory_space<hbm>> -> memref<512xi32, #tpu.memory_space<hbm>>
      tpu.enqueue_dma source(%dma_start3A_7 : memref<512xi32, #tpu.memory_space<hbm>>) target(%arg8 : memref<512xi32, #tpu.memory_space<vmem>>) target_semaphore(%run_scoped3A : memref<!tpu.dma_semaphore, #tpu.memory_space<semaphore_mem>>)
      %dma_wait3A = tpu.memref_slice %arg2[%mul3A_2] : memref<16384xi32, #tpu.memory_space<hbm>> -> memref<512xi32, #tpu.memory_space<hbm>>
      %dma_wait3A_8 = tpu.memref_slice %arg2[%mul3A_2] : memref<16384xi32, #tpu.memory_space<hbm>> -> memref<512xi32, #tpu.memory_space<hbm>>
      tpu.wait_dma2 semaphore(%run_scoped3A : memref<!tpu.dma_semaphore, #tpu.memory_space<semaphore_mem>>) src(%dma_wait3A_8 : memref<512xi32, #tpu.memory_space<hbm>>) dst(%arg8 : memref<512xi32, #tpu.memory_space<vmem>>)
      tpu.yield
    }) : () -> ()
    "tpu.region"() ({
      %run_scoped3A = tpu.sem_alloc : memref<!tpu.dma_semaphore, #tpu.memory_space<semaphore_mem>>
      %dma_start3A = tpu.memref_slice %arg3[%mul3A_2] : memref<16384xi32, #tpu.memory_space<hbm>> -> memref<512xi32, #tpu.memory_space<hbm>>
      %dma_start3A_7 = tpu.memref_slice %arg3[%mul3A_2] : memref<16384xi32, #tpu.memory_space<hbm>> -> memref<512xi32, #tpu.memory_space<hbm>>
      tpu.enqueue_dma source(%dma_start3A_7 : memref<512xi32, #tpu.memory_space<hbm>>) target(%arg9 : memref<512xi32, #tpu.memory_space<vmem>>) target_semaphore(%run_scoped3A : memref<!tpu.dma_semaphore, #tpu.memory_space<semaphore_mem>>)
      %dma_wait3A = tpu.memref_slice %arg3[%mul3A_2] : memref<16384xi32, #tpu.memory_space<hbm>> -> memref<512xi32, #tpu.memory_space<hbm>>
      %dma_wait3A_8 = tpu.memref_slice %arg3[%mul3A_2] : memref<16384xi32, #tpu.memory_space<hbm>> -> memref<512xi32, #tpu.memory_space<hbm>>
      tpu.wait_dma2 semaphore(%run_scoped3A : memref<!tpu.dma_semaphore, #tpu.memory_space<semaphore_mem>>) src(%dma_wait3A_8 : memref<512xi32, #tpu.memory_space<hbm>>) dst(%arg9 : memref<512xi32, #tpu.memory_space<vmem>>)
      tpu.yield
    }) : () -> ()
    %scan3A = arith.constant 0 : i32
    %scan3A_3 = arith.constant 4 : i32
    %scan3A_4 = arith.addi %scan3A, %scan3A_3 : i32
    %scan3A_5 = arith.constant 1 : i32
    scf.for %scan3A_7 = %scan3A to %scan3A_4 step %scan3A_5  : i32 {
      %mul3A_8 = arith.constant 1 : i32
      %mul3A_9 = arith.muli %scan3A_7, %mul3A_8 : i32
      %add3A_10 = arith.constant 0 : i32
      %add3A_11 = arith.addi %add3A_10, %mul3A_9 : i32
      %mul3A_12 = arith.constant 128 : i32
      %mul3A_13 = arith.muli %add3A_11, %mul3A_12 : i32
      %scan3A_14 = arith.constant 0 : i32
      %scan3A_15 = arith.constant 8 : i32
      %scan3A_16 = arith.addi %scan3A_14, %scan3A_15 : i32
      %scan3A_17 = arith.constant 1 : i32
      scf.for %scan3A_32 = %scan3A_14 to %scan3A_16 step %scan3A_17  : i32 {
        %mul3A_33 = arith.constant 1 : i32
        %mul3A_34 = arith.muli %scan3A_32, %mul3A_33 : i32
        %add3A_35 = arith.constant 0 : i32
        %add3A_36 = arith.addi %add3A_35, %mul3A_34 : i32
        %mul3A_37 = arith.constant 16 : i32
        %mul3A_38 = arith.muli %add3A_36, %mul3A_37 : i32
        %add3A_39 = arith.addi %mul3A_13, %mul3A_38 : i32
        %get3A = arith.index_cast %add3A_39 : i32 to index
        %get3A_40 = tpu.vector_load %arg8[%get3A] {strides = array<i32>} : memref<512xi32, #tpu.memory_space<vmem>>, vector<16xi32>,
        %get3A_41 = vector.shape_cast %get3A_40 : vector<16xi32> to vector<16xi32>
        %mul3A_42 = arith.constant 16 : i32
        %mul3A_43 = arith.muli %add3A_36, %mul3A_42 : i32
        %add3A_44 = arith.addi %mul3A_13, %mul3A_43 : i32
        %get3A_45 = arith.index_cast %add3A_44 : i32 to index
        %get3A_46 = tpu.vector_load %arg9[%get3A_45] {strides = array<i32>} : memref<512xi32, #tpu.memory_space<vmem>>, vector<16xi32>,
        %get3A_47 = vector.shape_cast %get3A_46 : vector<16xi32> to vector<16xi32>
        %slice3A = vector.extract_strided_slice %get3A_41 {offsets = [0], sizes = [1], strides = [1]} : vector<16xi32> to vector<1xi32>
        %squeeze3A = vector.extract %slice3A[0] : i32 from vector<1xi32>
        %mul3A_48 = arith.constant 16 : i32
        %mul3A_49 = arith.muli %add3A_36, %mul3A_48 : i32
        %add3A_50 = arith.constant 0 : i32
        %add3A_51 = arith.addi %mul3A_49, %add3A_50 : i32
        %dma_start3A = arith.constant 0 : i32
        %dma_start3A_52 = tpu.memref_slice %arg10[%add3A_51, %dma_start3A] : memref<128x64xf32, #tpu.memory_space<vmem>> -> memref<1x64xf32, #tpu.memory_space<vmem>>
        %dma_start3A_53 = arith.constant 0 : i32
        %dma_start3A_54 = tpu.memref_slice %arg4[%squeeze3A, %dma_start3A_53] : memref<1000000x64xf32, #tpu.memory_space<hbm>> -> memref<1x64xf32, #tpu.memory_space<hbm>>
        %dma_start3A_55 = arith.constant 0 : i32
        %dma_start3A_56 = tpu.memref_slice %arg10[%add3A_51, %dma_start3A_55] : memref<128x64xf32, #tpu.memory_space<vmem>> -> memref<1x64xf32, #tpu.memory_space<vmem>>
        %dma_start3A_57 = arith.constant 0 : i32
        %dma_start3A_58 = tpu.memref_slice %arg4[%squeeze3A, %dma_start3A_57] : memref<1000000x64xf32, #tpu.memory_space<hbm>> -> memref<1x64xf32, #tpu.memory_space<hbm>>
        tpu.enqueue_dma source(%dma_start3A_58 : memref<1x64xf32, #tpu.memory_space<hbm>>) target(%dma_start3A_56 : memref<1x64xf32, #tpu.memory_space<vmem>>) target_semaphore(%arg12 : memref<!tpu.dma_semaphore, #tpu.memory_space<semaphore_mem>>)
        %slice3A_59 = vector.extract_strided_slice %get3A_47 {offsets = [0], sizes = [1], strides = [1]} : vector<16xi32> to vector<1xi32>
        %squeeze3A_60 = vector.extract %slice3A_59[0] : i32 from vector<1xi32>
        %mul3A_61 = arith.constant 16 : i32
        %mul3A_62 = arith.muli %add3A_36, %mul3A_61 : i32
        %add3A_63 = arith.constant 0 : i32
        %add3A_64 = arith.addi %mul3A_62, %add3A_63 : i32
        %dma_start3A_65 = arith.constant 0 : i32
        %dma_start3A_66 = tpu.memref_slice %arg11[%add3A_64, %dma_start3A_65] : memref<128x64xf32, #tpu.memory_space<vmem>> -> memref<1x64xf32, #tpu.memory_space<vmem>>
        %dma_start3A_67 = arith.constant 0 : i32
        %dma_start3A_68 = tpu.memref_slice %arg5[%squeeze3A_60, %dma_start3A_67] : memref<100000x64xf32, #tpu.memory_space<hbm>> -> memref<1x64xf32, #tpu.memory_space<hbm>>
        %dma_start3A_69 = arith.constant 0 : i32
        %dma_start3A_70 = tpu.memref_slice %arg11[%add3A_64, %dma_start3A_69] : memref<128x64xf32, #tpu.memory_space<vmem>> -> memref<1x64xf32, #tpu.memory_space<vmem>>
        %dma_start3A_71 = arith.constant 0 : i32
        %dma_start3A_72 = tpu.memref_slice %arg5[%squeeze3A_60, %dma_start3A_71] : memref<100000x64xf32, #tpu.memory_space<hbm>> -> memref<1x64xf32, #tpu.memory_space<hbm>>
        tpu.enqueue_dma source(%dma_start3A_72 : memref<1x64xf32, #tpu.memory_space<hbm>>) target(%dma_start3A_70 : memref<1x64xf32, #tpu.memory_space<vmem>>) target_semaphore(%arg13 : memref<!tpu.dma_semaphore, #tpu.memory_space<semaphore_mem>>)
        %slice3A_73 = vector.extract_strided_slice %get3A_41 {offsets = [1], sizes = [1], strides = [1]} : vector<16xi32> to vector<1xi32>
        %squeeze3A_74 = vector.extract %slice3A_73[0] : i32 from vector<1xi32>
        %mul3A_75 = arith.constant 16 : i32
        %mul3A_76 = arith.muli %add3A_36, %mul3A_75 : i32
        %add3A_77 = arith.constant 1 : i32
        %add3A_78 = arith.addi %mul3A_76, %add3A_77 : i32
        %dma_start3A_79 = arith.constant 0 : i32
        %dma_start3A_80 = tpu.memref_slice %arg10[%add3A_78, %dma_start3A_79] : memref<128x64xf32, #tpu.memory_space<vmem>> -> memref<1x64xf32, #tpu.memory_space<vmem>>
        %dma_start3A_81 = arith.constant 0 : i32
        %dma_start3A_82 = tpu.memref_slice %arg4[%squeeze3A_74, %dma_start3A_81] : memref<1000000x64xf32, #tpu.memory_space<hbm>> -> memref<1x64xf32, #tpu.memory_space<hbm>>
        %dma_start3A_83 = arith.constant 0 : i32
        %dma_start3A_84 = tpu.memref_slice %arg10[%add3A_78, %dma_start3A_83] : memref<128x64xf32, #tpu.memory_space<vmem>> -> memref<1x64xf32, #tpu.memory_space<vmem>>
        %dma_start3A_85 = arith.constant 0 : i32
        %dma_start3A_86 = tpu.memref_slice %arg4[%squeeze3A_74, %dma_start3A_85] : memref<1000000x64xf32, #tpu.memory_space<hbm>> -> memref<1x64xf32, #tpu.memory_space<hbm>>
        tpu.enqueue_dma source(%dma_start3A_86 : memref<1x64xf32, #tpu.memory_space<hbm>>) target(%dma_start3A_84 : memref<1x64xf32, #tpu.memory_space<vmem>>) target_semaphore(%arg12 : memref<!tpu.dma_semaphore, #tpu.memory_space<semaphore_mem>>)
        %slice3A_87 = vector.extract_strided_slice %get3A_47 {offsets = [1], sizes = [1], strides = [1]} : vector<16xi32> to vector<1xi32>
        %squeeze3A_88 = vector.extract %slice3A_87[0] : i32 from vector<1xi32>
        %mul3A_89 = arith.constant 16 : i32
        %mul3A_90 = arith.muli %add3A_36, %mul3A_89 : i32
        %add3A_91 = arith.constant 1 : i32
        %add3A_92 = arith.addi %mul3A_90, %add3A_91 : i32
        %dma_start3A_93 = arith.constant 0 : i32
        %dma_start3A_94 = tpu.memref_slice %arg11[%add3A_92, %dma_start3A_93] : memref<128x64xf32, #tpu.memory_space<vmem>> -> memref<1x64xf32, #tpu.memory_space<vmem>>
        %dma_start3A_95 = arith.constant 0 : i32
        %dma_start3A_96 = tpu.memref_slice %arg5[%squeeze3A_88, %dma_start3A_95] : memref<100000x64xf32, #tpu.memory_space<hbm>> -> memref<1x64xf32, #tpu.memory_space<hbm>>
        %dma_start3A_97 = arith.constant 0 : i32
        %dma_start3A_98 = tpu.memref_slice %arg11[%add3A_92, %dma_start3A_97] : memref<128x64xf32, #tpu.memory_space<vmem>> -> memref<1x64xf32, #tpu.memory_space<vmem>>
        %dma_start3A_99 = arith.constant 0 : i32
        %dma_start3A_100 = tpu.memref_slice %arg5[%squeeze3A_88, %dma_start3A_99] : memref<100000x64xf32, #tpu.memory_space<hbm>> -> memref<1x64xf32, #tpu.memory_space<hbm>>
        tpu.enqueue_dma source(%dma_start3A_100 : memref<1x64xf32, #tpu.memory_space<hbm>>) target(%dma_start3A_98 : memref<1x64xf32, #tpu.memory_space<vmem>>) target_semaphore(%arg13 : memref<!tpu.dma_semaphore, #tpu.memory_space<semaphore_mem>>)
        %slice3A_101 = vector.extract_strided_slice %get3A_41 {offsets = [2], sizes = [1], strides = [1]} : vector<16xi32> to vector<1xi32>
        %squeeze3A_102 = vector.extract %slice3A_101[0] : i32 from vector<1xi32>
        %mul3A_103 = arith.constant 16 : i32
        %mul3A_104 = arith.muli %add3A_36, %mul3A_103 : i32
        %add3A_105 = arith.constant 2 : i32
        %add3A_106 = arith.addi %mul3A_104, %add3A_105 : i32
        %dma_start3A_107 = arith.constant 0 : i32
        %dma_start3A_108 = tpu.memref_slice %arg10[%add3A_106, %dma_start3A_107] : memref<128x64xf32, #tpu.memory_space<vmem>> -> memref<1x64xf32, #tpu.memory_space<vmem>>
        %dma_start3A_109 = arith.constant 0 : i32
        %dma_start3A_110 = tpu.memref_slice %arg4[%squeeze3A_102, %dma_start3A_109] : memref<1000000x64xf32, #tpu.memory_space<hbm>> -> memref<1x64xf32, #tpu.memory_space<hbm>>
        %dma_start3A_111 = arith.constant 0 : i32
        %dma_start3A_112 = tpu.memref_slice %arg10[%add3A_106, %dma_start3A_111] : memref<128x64xf32, #tpu.memory_space<vmem>> -> memref<1x64xf32, #tpu.memory_space<vmem>>
        %dma_start3A_113 = arith.constant 0 : i32
        %dma_start3A_114 = tpu.memref_slice %arg4[%squeeze3A_102, %dma_start3A_113] : memref<1000000x64xf32, #tpu.memory_space<hbm>> -> memref<1x64xf32, #tpu.memory_space<hbm>>
        tpu.enqueue_dma source(%dma_start3A_114 : memref<1x64xf32, #tpu.memory_space<hbm>>) target(%dma_start3A_112 : memref<1x64xf32, #tpu.memory_space<vmem>>) target_semaphore(%arg12 : memref<!tpu.dma_semaphore, #tpu.memory_space<semaphore_mem>>)
        %slice3A_115 = vector.extract_strided_slice %get3A_47 {offsets = [2], sizes = [1], strides = [1]} : vector<16xi32> to vector<1xi32>
        %squeeze3A_116 = vector.extract %slice3A_115[0] : i32 from vector<1xi32>
        %mul3A_117 = arith.constant 16 : i32
        %mul3A_118 = arith.muli %add3A_36, %mul3A_117 : i32
        %add3A_119 = arith.constant 2 : i32
        %add3A_120 = arith.addi %mul3A_118, %add3A_119 : i32
        %dma_start3A_121 = arith.constant 0 : i32
        %dma_start3A_122 = tpu.memref_slice %arg11[%add3A_120, %dma_start3A_121] : memref<128x64xf32, #tpu.memory_space<vmem>> -> memref<1x64xf32, #tpu.memory_space<vmem>>
        %dma_start3A_123 = arith.constant 0 : i32
        %dma_start3A_124 = tpu.memref_slice %arg5[%squeeze3A_116, %dma_start3A_123] : memref<100000x64xf32, #tpu.memory_space<hbm>> -> memref<1x64xf32, #tpu.memory_space<hbm>>
        %dma_start3A_125 = arith.constant 0 : i32
        %dma_start3A_126 = tpu.memref_slice %arg11[%add3A_120, %dma_start3A_125] : memref<128x64xf32, #tpu.memory_space<vmem>> -> memref<1x64xf32, #tpu.memory_space<vmem>>
        %dma_start3A_127 = arith.constant 0 : i32
        %dma_start3A_128 = tpu.memref_slice %arg5[%squeeze3A_116, %dma_start3A_127] : memref<100000x64xf32, #tpu.memory_space<hbm>> -> memref<1x64xf32, #tpu.memory_space<hbm>>
        tpu.enqueue_dma source(%dma_start3A_128 : memref<1x64xf32, #tpu.memory_space<hbm>>) target(%dma_start3A_126 : memref<1x64xf32, #tpu.memory_space<vmem>>) target_semaphore(%arg13 : memref<!tpu.dma_semaphore, #tpu.memory_space<semaphore_mem>>)
        %slice3A_129 = vector.extract_strided_slice %get3A_41 {offsets = [3], sizes = [1], strides = [1]} : vector<16xi32> to vector<1xi32>
        %squeeze3A_130 = vector.extract %slice3A_129[0] : i32 from vector<1xi32>
        %mul3A_131 = arith.constant 16 : i32
        %mul3A_132 = arith.muli %add3A_36, %mul3A_131 : i32
        %add3A_133 = arith.constant 3 : i32
        %add3A_134 = arith.addi %mul3A_132, %add3A_133 : i32
        %dma_start3A_135 = arith.constant 0 : i32
        %dma_start3A_136 = tpu.memref_slice %arg10[%add3A_134, %dma_start3A_135] : memref<128x64xf32, #tpu.memory_space<vmem>> -> memref<1x64xf32, #tpu.memory_space<vmem>>
        %dma_start3A_137 = arith.constant 0 : i32
        %dma_start3A_138 = tpu.memref_slice %arg4[%squeeze3A_130, %dma_start3A_137] : memref<1000000x64xf32, #tpu.memory_space<hbm>> -> memref<1x64xf32, #tpu.memory_space<hbm>>
        %dma_start3A_139 = arith.constant 0 : i32
        %dma_start3A_140 = tpu.memref_slice %arg10[%add3A_134, %dma_start3A_139] : memref<128x64xf32, #tpu.memory_space<vmem>> -> memref<1x64xf32, #tpu.memory_space<vmem>>
        %dma_start3A_141 = arith.constant 0 : i32
        %dma_start3A_142 = tpu.memref_slice %arg4[%squeeze3A_130, %dma_start3A_141] : memref<1000000x64xf32, #tpu.memory_space<hbm>> -> memref<1x64xf32, #tpu.memory_space<hbm>>
        tpu.enqueue_dma source(%dma_start3A_142 : memref<1x64xf32, #tpu.memory_space<hbm>>) target(%dma_start3A_140 : memref<1x64xf32, #tpu.memory_space<vmem>>) target_semaphore(%arg12 : memref<!tpu.dma_semaphore, #tpu.memory_space<semaphore_mem>>)
        %slice3A_143 = vector.extract_strided_slice %get3A_47 {offsets = [3], sizes = [1], strides = [1]} : vector<16xi32> to vector<1xi32>
        %squeeze3A_144 = vector.extract %slice3A_143[0] : i32 from vector<1xi32>
        %mul3A_145 = arith.constant 16 : i32
        %mul3A_146 = arith.muli %add3A_36, %mul3A_145 : i32
        %add3A_147 = arith.constant 3 : i32
        %add3A_148 = arith.addi %mul3A_146, %add3A_147 : i32
        %dma_start3A_149 = arith.constant 0 : i32
        %dma_start3A_150 = tpu.memref_slice %arg11[%add3A_148, %dma_start3A_149] : memref<128x64xf32, #tpu.memory_space<vmem>> -> memref<1x64xf32, #tpu.memory_space<vmem>>
        %dma_start3A_151 = arith.constant 0 : i32
        %dma_start3A_152 = tpu.memref_slice %arg5[%squeeze3A_144, %dma_start3A_151] : memref<100000x64xf32, #tpu.memory_space<hbm>> -> memref<1x64xf32, #tpu.memory_space<hbm>>
        %dma_start3A_153 = arith.constant 0 : i32
        %dma_start3A_154 = tpu.memref_slice %arg11[%add3A_148, %dma_start3A_153] : memref<128x64xf32, #tpu.memory_space<vmem>> -> memref<1x64xf32, #tpu.memory_space<vmem>>
        %dma_start3A_155 = arith.constant 0 : i32
        %dma_start3A_156 = tpu.memref_slice %arg5[%squeeze3A_144, %dma_start3A_155] : memref<100000x64xf32, #tpu.memory_space<hbm>> -> memref<1x64xf32, #tpu.memory_space<hbm>>
        tpu.enqueue_dma source(%dma_start3A_156 : memref<1x64xf32, #tpu.memory_space<hbm>>) target(%dma_start3A_154 : memref<1x64xf32, #tpu.memory_space<vmem>>) target_semaphore(%arg13 : memref<!tpu.dma_semaphore, #tpu.memory_space<semaphore_mem>>)
        %slice3A_157 = vector.extract_strided_slice %get3A_41 {offsets = [4], sizes = [1], strides = [1]} : vector<16xi32> to vector<1xi32>
        %squeeze3A_158 = vector.extract %slice3A_157[0] : i32 from vector<1xi32>
        %mul3A_159 = arith.constant 16 : i32
        %mul3A_160 = arith.muli %add3A_36, %mul3A_159 : i32
        %add3A_161 = arith.constant 4 : i32
        %add3A_162 = arith.addi %mul3A_160, %add3A_161 : i32
        %dma_start3A_163 = arith.constant 0 : i32
        %dma_start3A_164 = tpu.memref_slice %arg10[%add3A_162, %dma_start3A_163] : memref<128x64xf32, #tpu.memory_space<vmem>> -> memref<1x64xf32, #tpu.memory_space<vmem>>
        %dma_start3A_165 = arith.constant 0 : i32
        %dma_start3A_166 = tpu.memref_slice %arg4[%squeeze3A_158, %dma_start3A_165] : memref<1000000x64xf32, #tpu.memory_space<hbm>> -> memref<1x64xf32, #tpu.memory_space<hbm>>
        %dma_start3A_167 = arith.constant 0 : i32
        %dma_start3A_168 = tpu.memref_slice %arg10[%add3A_162, %dma_start3A_167] : memref<128x64xf32, #tpu.memory_space<vmem>> -> memref<1x64xf32, #tpu.memory_space<vmem>>
        %dma_start3A_169 = arith.constant 0 : i32
        %dma_start3A_170 = tpu.memref_slice %arg4[%squeeze3A_158, %dma_start3A_169] : memref<1000000x64xf32, #tpu.memory_space<hbm>> -> memref<1x64xf32, #tpu.memory_space<hbm>>
        tpu.enqueue_dma source(%dma_start3A_170 : memref<1x64xf32, #tpu.memory_space<hbm>>) target(%dma_start3A_168 : memref<1x64xf32, #tpu.memory_space<vmem>>) target_semaphore(%arg12 : memref<!tpu.dma_semaphore, #tpu.memory_space<semaphore_mem>>)
        %slice3A_171 = vector.extract_strided_slice %get3A_47 {offsets = [4], sizes = [1], strides = [1]} : vector<16xi32> to vector<1xi32>
        %squeeze3A_172 = vector.extract %slice3A_171[0] : i32 from vector<1xi32>
        %mul3A_173 = arith.constant 16 : i32
        %mul3A_174 = arith.muli %add3A_36, %mul3A_173 : i32
        %add3A_175 = arith.constant 4 : i32
        %add3A_176 = arith.addi %mul3A_174, %add3A_175 : i32
        %dma_start3A_177 = arith.constant 0 : i32
        %dma_start3A_178 = tpu.memref_slice %arg11[%add3A_176, %dma_start3A_177] : memref<128x64xf32, #tpu.memory_space<vmem>> -> memref<1x64xf32, #tpu.memory_space<vmem>>
        %dma_start3A_179 = arith.constant 0 : i32
        %dma_start3A_180 = tpu.memref_slice %arg5[%squeeze3A_172, %dma_start3A_179] : memref<100000x64xf32, #tpu.memory_space<hbm>> -> memref<1x64xf32, #tpu.memory_space<hbm>>
        %dma_start3A_181 = arith.constant 0 : i32
        %dma_start3A_182 = tpu.memref_slice %arg11[%add3A_176, %dma_start3A_181] : memref<128x64xf32, #tpu.memory_space<vmem>> -> memref<1x64xf32, #tpu.memory_space<vmem>>
        %dma_start3A_183 = arith.constant 0 : i32
        %dma_start3A_184 = tpu.memref_slice %arg5[%squeeze3A_172, %dma_start3A_183] : memref<100000x64xf32, #tpu.memory_space<hbm>> -> memref<1x64xf32, #tpu.memory_space<hbm>>
        tpu.enqueue_dma source(%dma_start3A_184 : memref<1x64xf32, #tpu.memory_space<hbm>>) target(%dma_start3A_182 : memref<1x64xf32, #tpu.memory_space<vmem>>) target_semaphore(%arg13 : memref<!tpu.dma_semaphore, #tpu.memory_space<semaphore_mem>>)
        %slice3A_185 = vector.extract_strided_slice %get3A_41 {offsets = [5], sizes = [1], strides = [1]} : vector<16xi32> to vector<1xi32>
        %squeeze3A_186 = vector.extract %slice3A_185[0] : i32 from vector<1xi32>
        %mul3A_187 = arith.constant 16 : i32
        %mul3A_188 = arith.muli %add3A_36, %mul3A_187 : i32
        %add3A_189 = arith.constant 5 : i32
        %add3A_190 = arith.addi %mul3A_188, %add3A_189 : i32
        %dma_start3A_191 = arith.constant 0 : i32
        %dma_start3A_192 = tpu.memref_slice %arg10[%add3A_190, %dma_start3A_191] : memref<128x64xf32, #tpu.memory_space<vmem>> -> memref<1x64xf32, #tpu.memory_space<vmem>>
        %dma_start3A_193 = arith.constant 0 : i32
        %dma_start3A_194 = tpu.memref_slice %arg4[%squeeze3A_186, %dma_start3A_193] : memref<1000000x64xf32, #tpu.memory_space<hbm>> -> memref<1x64xf32, #tpu.memory_space<hbm>>
        %dma_start3A_195 = arith.constant 0 : i32
        %dma_start3A_196 = tpu.memref_slice %arg10[%add3A_190, %dma_start3A_195] : memref<128x64xf32, #tpu.memory_space<vmem>> -> memref<1x64xf32, #tpu.memory_space<vmem>>
        %dma_start3A_197 = arith.constant 0 : i32
        %dma_start3A_198 = tpu.memref_slice %arg4[%squeeze3A_186, %dma_start3A_197] : memref<1000000x64xf32, #tpu.memory_space<hbm>> -> memref<1x64xf32, #tpu.memory_space<hbm>>
        tpu.enqueue_dma source(%dma_start3A_198 : memref<1x64xf32, #tpu.memory_space<hbm>>) target(%dma_start3A_196 : memref<1x64xf32, #tpu.memory_space<vmem>>) target_semaphore(%arg12 : memref<!tpu.dma_semaphore, #tpu.memory_space<semaphore_mem>>)
        %slice3A_199 = vector.extract_strided_slice %get3A_47 {offsets = [5], sizes = [1], strides = [1]} : vector<16xi32> to vector<1xi32>
        %squeeze3A_200 = vector.extract %slice3A_199[0] : i32 from vector<1xi32>
        %mul3A_201 = arith.constant 16 : i32
        %mul3A_202 = arith.muli %add3A_36, %mul3A_201 : i32
        %add3A_203 = arith.constant 5 : i32
        %add3A_204 = arith.addi %mul3A_202, %add3A_203 : i32
        %dma_start3A_205 = arith.constant 0 : i32
        %dma_start3A_206 = tpu.memref_slice %arg11[%add3A_204, %dma_start3A_205] : memref<128x64xf32, #tpu.memory_space<vmem>> -> memref<1x64xf32, #tpu.memory_space<vmem>>
        %dma_start3A_207 = arith.constant 0 : i32
        %dma_start3A_208 = tpu.memref_slice %arg5[%squeeze3A_200, %dma_start3A_207] : memref<100000x64xf32, #tpu.memory_space<hbm>> -> memref<1x64xf32, #tpu.memory_space<hbm>>
        %dma_start3A_209 = arith.constant 0 : i32
        %dma_start3A_210 = tpu.memref_slice %arg11[%add3A_204, %dma_start3A_209] : memref<128x64xf32, #tpu.memory_space<vmem>> -> memref<1x64xf32, #tpu.memory_space<vmem>>
        %dma_start3A_211 = arith.constant 0 : i32
        %dma_start3A_212 = tpu.memref_slice %arg5[%squeeze3A_200, %dma_start3A_211] : memref<100000x64xf32, #tpu.memory_space<hbm>> -> memref<1x64xf32, #tpu.memory_space<hbm>>
        tpu.enqueue_dma source(%dma_start3A_212 : memref<1x64xf32, #tpu.memory_space<hbm>>) target(%dma_start3A_210 : memref<1x64xf32, #tpu.memory_space<vmem>>) target_semaphore(%arg13 : memref<!tpu.dma_semaphore, #tpu.memory_space<semaphore_mem>>)
        %slice3A_213 = vector.extract_strided_slice %get3A_41 {offsets = [6], sizes = [1], strides = [1]} : vector<16xi32> to vector<1xi32>
        %squeeze3A_214 = vector.extract %slice3A_213[0] : i32 from vector<1xi32>
        %mul3A_215 = arith.constant 16 : i32
        %mul3A_216 = arith.muli %add3A_36, %mul3A_215 : i32
        %add3A_217 = arith.constant 6 : i32
        %add3A_218 = arith.addi %mul3A_216, %add3A_217 : i32
        %dma_start3A_219 = arith.constant 0 : i32
        %dma_start3A_220 = tpu.memref_slice %arg10[%add3A_218, %dma_start3A_219] : memref<128x64xf32, #tpu.memory_space<vmem>> -> memref<1x64xf32, #tpu.memory_space<vmem>>
        %dma_start3A_221 = arith.constant 0 : i32
        %dma_start3A_222 = tpu.memref_slice %arg4[%squeeze3A_214, %dma_start3A_221] : memref<1000000x64xf32, #tpu.memory_space<hbm>> -> memref<1x64xf32, #tpu.memory_space<hbm>>
        %dma_start3A_223 = arith.constant 0 : i32
        %dma_start3A_224 = tpu.memref_slice %arg10[%add3A_218, %dma_start3A_223] : memref<128x64xf32, #tpu.memory_space<vmem>> -> memref<1x64xf32, #tpu.memory_space<vmem>>
        %dma_start3A_225 = arith.constant 0 : i32
        %dma_start3A_226 = tpu.memref_slice %arg4[%squeeze3A_214, %dma_start3A_225] : memref<1000000x64xf32, #tpu.memory_space<hbm>> -> memref<1x64xf32, #tpu.memory_space<hbm>>
        tpu.enqueue_dma source(%dma_start3A_226 : memref<1x64xf32, #tpu.memory_space<hbm>>) target(%dma_start3A_224 : memref<1x64xf32, #tpu.memory_space<vmem>>) target_semaphore(%arg12 : memref<!tpu.dma_semaphore, #tpu.memory_space<semaphore_mem>>)
        %slice3A_227 = vector.extract_strided_slice %get3A_47 {offsets = [6], sizes = [1], strides = [1]} : vector<16xi32> to vector<1xi32>
        %squeeze3A_228 = vector.extract %slice3A_227[0] : i32 from vector<1xi32>
        %mul3A_229 = arith.constant 16 : i32
        %mul3A_230 = arith.muli %add3A_36, %mul3A_229 : i32
        %add3A_231 = arith.constant 6 : i32
        %add3A_232 = arith.addi %mul3A_230, %add3A_231 : i32
        %dma_start3A_233 = arith.constant 0 : i32
        %dma_start3A_234 = tpu.memref_slice %arg11[%add3A_232, %dma_start3A_233] : memref<128x64xf32, #tpu.memory_space<vmem>> -> memref<1x64xf32, #tpu.memory_space<vmem>>
        %dma_start3A_235 = arith.constant 0 : i32
        %dma_start3A_236 = tpu.memref_slice %arg5[%squeeze3A_228, %dma_start3A_235] : memref<100000x64xf32, #tpu.memory_space<hbm>> -> memref<1x64xf32, #tpu.memory_space<hbm>>
        %dma_start3A_237 = arith.constant 0 : i32
        %dma_start3A_238 = tpu.memref_slice %arg11[%add3A_232, %dma_start3A_237] : memref<128x64xf32, #tpu.memory_space<vmem>> -> memref<1x64xf32, #tpu.memory_space<vmem>>
        %dma_start3A_239 = arith.constant 0 : i32
        %dma_start3A_240 = tpu.memref_slice %arg5[%squeeze3A_228, %dma_start3A_239] : memref<100000x64xf32, #tpu.memory_space<hbm>> -> memref<1x64xf32, #tpu.memory_space<hbm>>
        tpu.enqueue_dma source(%dma_start3A_240 : memref<1x64xf32, #tpu.memory_space<hbm>>) target(%dma_start3A_238 : memref<1x64xf32, #tpu.memory_space<vmem>>) target_semaphore(%arg13 : memref<!tpu.dma_semaphore, #tpu.memory_space<semaphore_mem>>)
        %slice3A_241 = vector.extract_strided_slice %get3A_41 {offsets = [7], sizes = [1], strides = [1]} : vector<16xi32> to vector<1xi32>
        %squeeze3A_242 = vector.extract %slice3A_241[0] : i32 from vector<1xi32>
        %mul3A_243 = arith.constant 16 : i32
        %mul3A_244 = arith.muli %add3A_36, %mul3A_243 : i32
        %add3A_245 = arith.constant 7 : i32
        %add3A_246 = arith.addi %mul3A_244, %add3A_245 : i32
        %dma_start3A_247 = arith.constant 0 : i32
        %dma_start3A_248 = tpu.memref_slice %arg10[%add3A_246, %dma_start3A_247] : memref<128x64xf32, #tpu.memory_space<vmem>> -> memref<1x64xf32, #tpu.memory_space<vmem>>
        %dma_start3A_249 = arith.constant 0 : i32
        %dma_start3A_250 = tpu.memref_slice %arg4[%squeeze3A_242, %dma_start3A_249] : memref<1000000x64xf32, #tpu.memory_space<hbm>> -> memref<1x64xf32, #tpu.memory_space<hbm>>
        %dma_start3A_251 = arith.constant 0 : i32
        %dma_start3A_252 = tpu.memref_slice %arg10[%add3A_246, %dma_start3A_251] : memref<128x64xf32, #tpu.memory_space<vmem>> -> memref<1x64xf32, #tpu.memory_space<vmem>>
        %dma_start3A_253 = arith.constant 0 : i32
        %dma_start3A_254 = tpu.memref_slice %arg4[%squeeze3A_242, %dma_start3A_253] : memref<1000000x64xf32, #tpu.memory_space<hbm>> -> memref<1x64xf32, #tpu.memory_space<hbm>>
        tpu.enqueue_dma source(%dma_start3A_254 : memref<1x64xf32, #tpu.memory_space<hbm>>) target(%dma_start3A_252 : memref<1x64xf32, #tpu.memory_space<vmem>>) target_semaphore(%arg12 : memref<!tpu.dma_semaphore, #tpu.memory_space<semaphore_mem>>)
        %slice3A_255 = vector.extract_strided_slice %get3A_47 {offsets = [7], sizes = [1], strides = [1]} : vector<16xi32> to vector<1xi32>
        %squeeze3A_256 = vector.extract %slice3A_255[0] : i32 from vector<1xi32>
        %mul3A_257 = arith.constant 16 : i32
        %mul3A_258 = arith.muli %add3A_36, %mul3A_257 : i32
        %add3A_259 = arith.constant 7 : i32
        %add3A_260 = arith.addi %mul3A_258, %add3A_259 : i32
        %dma_start3A_261 = arith.constant 0 : i32
        %dma_start3A_262 = tpu.memref_slice %arg11[%add3A_260, %dma_start3A_261] : memref<128x64xf32, #tpu.memory_space<vmem>> -> memref<1x64xf32, #tpu.memory_space<vmem>>
        %dma_start3A_263 = arith.constant 0 : i32
        %dma_start3A_264 = tpu.memref_slice %arg5[%squeeze3A_256, %dma_start3A_263] : memref<100000x64xf32, #tpu.memory_space<hbm>> -> memref<1x64xf32, #tpu.memory_space<hbm>>
        %dma_start3A_265 = arith.constant 0 : i32
        %dma_start3A_266 = tpu.memref_slice %arg11[%add3A_260, %dma_start3A_265] : memref<128x64xf32, #tpu.memory_space<vmem>> -> memref<1x64xf32, #tpu.memory_space<vmem>>
        %dma_start3A_267 = arith.constant 0 : i32
        %dma_start3A_268 = tpu.memref_slice %arg5[%squeeze3A_256, %dma_start3A_267] : memref<100000x64xf32, #tpu.memory_space<hbm>> -> memref<1x64xf32, #tpu.memory_space<hbm>>
        tpu.enqueue_dma source(%dma_start3A_268 : memref<1x64xf32, #tpu.memory_space<hbm>>) target(%dma_start3A_266 : memref<1x64xf32, #tpu.memory_space<vmem>>) target_semaphore(%arg13 : memref<!tpu.dma_semaphore, #tpu.memory_space<semaphore_mem>>)
        %slice3A_269 = vector.extract_strided_slice %get3A_41 {offsets = [8], sizes = [1], strides = [1]} : vector<16xi32> to vector<1xi32>
        %squeeze3A_270 = vector.extract %slice3A_269[0] : i32 from vector<1xi32>
        %mul3A_271 = arith.constant 16 : i32
        %mul3A_272 = arith.muli %add3A_36, %mul3A_271 : i32
        %add3A_273 = arith.constant 8 : i32
        %add3A_274 = arith.addi %mul3A_272, %add3A_273 : i32
        %dma_start3A_275 = arith.constant 0 : i32
        %dma_start3A_276 = tpu.memref_slice %arg10[%add3A_274, %dma_start3A_275] : memref<128x64xf32, #tpu.memory_space<vmem>> -> memref<1x64xf32, #tpu.memory_space<vmem>>
        %dma_start3A_277 = arith.constant 0 : i32
        %dma_start3A_278 = tpu.memref_slice %arg4[%squeeze3A_270, %dma_start3A_277] : memref<1000000x64xf32, #tpu.memory_space<hbm>> -> memref<1x64xf32, #tpu.memory_space<hbm>>
        %dma_start3A_279 = arith.constant 0 : i32
        %dma_start3A_280 = tpu.memref_slice %arg10[%add3A_274, %dma_start3A_279] : memref<128x64xf32, #tpu.memory_space<vmem>> -> memref<1x64xf32, #tpu.memory_space<vmem>>
        %dma_start3A_281 = arith.constant 0 : i32
        %dma_start3A_282 = tpu.memref_slice %arg4[%squeeze3A_270, %dma_start3A_281] : memref<1000000x64xf32, #tpu.memory_space<hbm>> -> memref<1x64xf32, #tpu.memory_space<hbm>>
        tpu.enqueue_dma source(%dma_start3A_282 : memref<1x64xf32, #tpu.memory_space<hbm>>) target(%dma_start3A_280 : memref<1x64xf32, #tpu.memory_space<vmem>>) target_semaphore(%arg12 : memref<!tpu.dma_semaphore, #tpu.memory_space<semaphore_mem>>)
        %slice3A_283 = vector.extract_strided_slice %get3A_47 {offsets = [8], sizes = [1], strides = [1]} : vector<16xi32> to vector<1xi32>
        %squeeze3A_284 = vector.extract %slice3A_283[0] : i32 from vector<1xi32>
        %mul3A_285 = arith.constant 16 : i32
        %mul3A_286 = arith.muli %add3A_36, %mul3A_285 : i32
        %add3A_287 = arith.constant 8 : i32
        %add3A_288 = arith.addi %mul3A_286, %add3A_287 : i32
        %dma_start3A_289 = arith.constant 0 : i32
        %dma_start3A_290 = tpu.memref_slice %arg11[%add3A_288, %dma_start3A_289] : memref<128x64xf32, #tpu.memory_space<vmem>> -> memref<1x64xf32, #tpu.memory_space<vmem>>
        %dma_start3A_291 = arith.constant 0 : i32
        %dma_start3A_292 = tpu.memref_slice %arg5[%squeeze3A_284, %dma_start3A_291] : memref<100000x64xf32, #tpu.memory_space<hbm>> -> memref<1x64xf32, #tpu.memory_space<hbm>>
        %dma_start3A_293 = arith.constant 0 : i32
        %dma_start3A_294 = tpu.memref_slice %arg11[%add3A_288, %dma_start3A_293] : memref<128x64xf32, #tpu.memory_space<vmem>> -> memref<1x64xf32, #tpu.memory_space<vmem>>
        %dma_start3A_295 = arith.constant 0 : i32
        %dma_start3A_296 = tpu.memref_slice %arg5[%squeeze3A_284, %dma_start3A_295] : memref<100000x64xf32, #tpu.memory_space<hbm>> -> memref<1x64xf32, #tpu.memory_space<hbm>>
        tpu.enqueue_dma source(%dma_start3A_296 : memref<1x64xf32, #tpu.memory_space<hbm>>) target(%dma_start3A_294 : memref<1x64xf32, #tpu.memory_space<vmem>>) target_semaphore(%arg13 : memref<!tpu.dma_semaphore, #tpu.memory_space<semaphore_mem>>)
        %slice3A_297 = vector.extract_strided_slice %get3A_41 {offsets = [9], sizes = [1], strides = [1]} : vector<16xi32> to vector<1xi32>
        %squeeze3A_298 = vector.extract %slice3A_297[0] : i32 from vector<1xi32>
        %mul3A_299 = arith.constant 16 : i32
        %mul3A_300 = arith.muli %add3A_36, %mul3A_299 : i32
        %add3A_301 = arith.constant 9 : i32
        %add3A_302 = arith.addi %mul3A_300, %add3A_301 : i32
        %dma_start3A_303 = arith.constant 0 : i32
        %dma_start3A_304 = tpu.memref_slice %arg10[%add3A_302, %dma_start3A_303] : memref<128x64xf32, #tpu.memory_space<vmem>> -> memref<1x64xf32, #tpu.memory_space<vmem>>
        %dma_start3A_305 = arith.constant 0 : i32
        %dma_start3A_306 = tpu.memref_slice %arg4[%squeeze3A_298, %dma_start3A_305] : memref<1000000x64xf32, #tpu.memory_space<hbm>> -> memref<1x64xf32, #tpu.memory_space<hbm>>
        %dma_start3A_307 = arith.constant 0 : i32
        %dma_start3A_308 = tpu.memref_slice %arg10[%add3A_302, %dma_start3A_307] : memref<128x64xf32, #tpu.memory_space<vmem>> -> memref<1x64xf32, #tpu.memory_space<vmem>>
        %dma_start3A_309 = arith.constant 0 : i32
        %dma_start3A_310 = tpu.memref_slice %arg4[%squeeze3A_298, %dma_start3A_309] : memref<1000000x64xf32, #tpu.memory_space<hbm>> -> memref<1x64xf32, #tpu.memory_space<hbm>>
        tpu.enqueue_dma source(%dma_start3A_310 : memref<1x64xf32, #tpu.memory_space<hbm>>) target(%dma_start3A_308 : memref<1x64xf32, #tpu.memory_space<vmem>>) target_semaphore(%arg12 : memref<!tpu.dma_semaphore, #tpu.memory_space<semaphore_mem>>)
        %slice3A_311 = vector.extract_strided_slice %get3A_47 {offsets = [9], sizes = [1], strides = [1]} : vector<16xi32> to vector<1xi32>
        %squeeze3A_312 = vector.extract %slice3A_311[0] : i32 from vector<1xi32>
        %mul3A_313 = arith.constant 16 : i32
        %mul3A_314 = arith.muli %add3A_36, %mul3A_313 : i32
        %add3A_315 = arith.constant 9 : i32
        %add3A_316 = arith.addi %mul3A_314, %add3A_315 : i32
        %dma_start3A_317 = arith.constant 0 : i32
        %dma_start3A_318 = tpu.memref_slice %arg11[%add3A_316, %dma_start3A_317] : memref<128x64xf32, #tpu.memory_space<vmem>> -> memref<1x64xf32, #tpu.memory_space<vmem>>
        %dma_start3A_319 = arith.constant 0 : i32
        %dma_start3A_320 = tpu.memref_slice %arg5[%squeeze3A_312, %dma_start3A_319] : memref<100000x64xf32, #tpu.memory_space<hbm>> -> memref<1x64xf32, #tpu.memory_space<hbm>>
        %dma_start3A_321 = arith.constant 0 : i32
        %dma_start3A_322 = tpu.memref_slice %arg11[%add3A_316, %dma_start3A_321] : memref<128x64xf32, #tpu.memory_space<vmem>> -> memref<1x64xf32, #tpu.memory_space<vmem>>
        %dma_start3A_323 = arith.constant 0 : i32
        %dma_start3A_324 = tpu.memref_slice %arg5[%squeeze3A_312, %dma_start3A_323] : memref<100000x64xf32, #tpu.memory_space<hbm>> -> memref<1x64xf32, #tpu.memory_space<hbm>>
        tpu.enqueue_dma source(%dma_start3A_324 : memref<1x64xf32, #tpu.memory_space<hbm>>) target(%dma_start3A_322 : memref<1x64xf32, #tpu.memory_space<vmem>>) target_semaphore(%arg13 : memref<!tpu.dma_semaphore, #tpu.memory_space<semaphore_mem>>)
        %slice3A_325 = vector.extract_strided_slice %get3A_41 {offsets = [10], sizes = [1], strides = [1]} : vector<16xi32> to vector<1xi32>
        %squeeze3A_326 = vector.extract %slice3A_325[0] : i32 from vector<1xi32>
        %mul3A_327 = arith.constant 16 : i32
        %mul3A_328 = arith.muli %add3A_36, %mul3A_327 : i32
        %add3A_329 = arith.constant 10 : i32
        %add3A_330 = arith.addi %mul3A_328, %add3A_329 : i32
        %dma_start3A_331 = arith.constant 0 : i32
        %dma_start3A_332 = tpu.memref_slice %arg10[%add3A_330, %dma_start3A_331] : memref<128x64xf32, #tpu.memory_space<vmem>> -> memref<1x64xf32, #tpu.memory_space<vmem>>
        %dma_start3A_333 = arith.constant 0 : i32
        %dma_start3A_334 = tpu.memref_slice %arg4[%squeeze3A_326, %dma_start3A_333] : memref<1000000x64xf32, #tpu.memory_space<hbm>> -> memref<1x64xf32, #tpu.memory_space<hbm>>
        %dma_start3A_335 = arith.constant 0 : i32
        %dma_start3A_336 = tpu.memref_slice %arg10[%add3A_330, %dma_start3A_335] : memref<128x64xf32, #tpu.memory_space<vmem>> -> memref<1x64xf32, #tpu.memory_space<vmem>>
        %dma_start3A_337 = arith.constant 0 : i32
        %dma_start3A_338 = tpu.memref_slice %arg4[%squeeze3A_326, %dma_start3A_337] : memref<1000000x64xf32, #tpu.memory_space<hbm>> -> memref<1x64xf32, #tpu.memory_space<hbm>>
        tpu.enqueue_dma source(%dma_start3A_338 : memref<1x64xf32, #tpu.memory_space<hbm>>) target(%dma_start3A_336 : memref<1x64xf32, #tpu.memory_space<vmem>>) target_semaphore(%arg12 : memref<!tpu.dma_semaphore, #tpu.memory_space<semaphore_mem>>)
        %slice3A_339 = vector.extract_strided_slice %get3A_47 {offsets = [10], sizes = [1], strides = [1]} : vector<16xi32> to vector<1xi32>
        %squeeze3A_340 = vector.extract %slice3A_339[0] : i32 from vector<1xi32>
        %mul3A_341 = arith.constant 16 : i32
        %mul3A_342 = arith.muli %add3A_36, %mul3A_341 : i32
        %add3A_343 = arith.constant 10 : i32
        %add3A_344 = arith.addi %mul3A_342, %add3A_343 : i32
        %dma_start3A_345 = arith.constant 0 : i32
        %dma_start3A_346 = tpu.memref_slice %arg11[%add3A_344, %dma_start3A_345] : memref<128x64xf32, #tpu.memory_space<vmem>> -> memref<1x64xf32, #tpu.memory_space<vmem>>
        %dma_start3A_347 = arith.constant 0 : i32
        %dma_start3A_348 = tpu.memref_slice %arg5[%squeeze3A_340, %dma_start3A_347] : memref<100000x64xf32, #tpu.memory_space<hbm>> -> memref<1x64xf32, #tpu.memory_space<hbm>>
        %dma_start3A_349 = arith.constant 0 : i32
        %dma_start3A_350 = tpu.memref_slice %arg11[%add3A_344, %dma_start3A_349] : memref<128x64xf32, #tpu.memory_space<vmem>> -> memref<1x64xf32, #tpu.memory_space<vmem>>
        %dma_start3A_351 = arith.constant 0 : i32
        %dma_start3A_352 = tpu.memref_slice %arg5[%squeeze3A_340, %dma_start3A_351] : memref<100000x64xf32, #tpu.memory_space<hbm>> -> memref<1x64xf32, #tpu.memory_space<hbm>>
        tpu.enqueue_dma source(%dma_start3A_352 : memref<1x64xf32, #tpu.memory_space<hbm>>) target(%dma_start3A_350 : memref<1x64xf32, #tpu.memory_space<vmem>>) target_semaphore(%arg13 : memref<!tpu.dma_semaphore, #tpu.memory_space<semaphore_mem>>)
        %slice3A_353 = vector.extract_strided_slice %get3A_41 {offsets = [11], sizes = [1], strides = [1]} : vector<16xi32> to vector<1xi32>
        %squeeze3A_354 = vector.extract %slice3A_353[0] : i32 from vector<1xi32>
        %mul3A_355 = arith.constant 16 : i32
        %mul3A_356 = arith.muli %add3A_36, %mul3A_355 : i32
        %add3A_357 = arith.constant 11 : i32
        %add3A_358 = arith.addi %mul3A_356, %add3A_357 : i32
        %dma_start3A_359 = arith.constant 0 : i32
        %dma_start3A_360 = tpu.memref_slice %arg10[%add3A_358, %dma_start3A_359] : memref<128x64xf32, #tpu.memory_space<vmem>> -> memref<1x64xf32, #tpu.memory_space<vmem>>
        %dma_start3A_361 = arith.constant 0 : i32
        %dma_start3A_362 = tpu.memref_slice %arg4[%squeeze3A_354, %dma_start3A_361] : memref<1000000x64xf32, #tpu.memory_space<hbm>> -> memref<1x64xf32, #tpu.memory_space<hbm>>
        %dma_start3A_363 = arith.constant 0 : i32
        %dma_start3A_364 = tpu.memref_slice %arg10[%add3A_358, %dma_start3A_363] : memref<128x64xf32, #tpu.memory_space<vmem>> -> memref<1x64xf32, #tpu.memory_space<vmem>>
        %dma_start3A_365 = arith.constant 0 : i32
        %dma_start3A_366 = tpu.memref_slice %arg4[%squeeze3A_354, %dma_start3A_365] : memref<1000000x64xf32, #tpu.memory_space<hbm>> -> memref<1x64xf32, #tpu.memory_space<hbm>>
        tpu.enqueue_dma source(%dma_start3A_366 : memref<1x64xf32, #tpu.memory_space<hbm>>) target(%dma_start3A_364 : memref<1x64xf32, #tpu.memory_space<vmem>>) target_semaphore(%arg12 : memref<!tpu.dma_semaphore, #tpu.memory_space<semaphore_mem>>)
        %slice3A_367 = vector.extract_strided_slice %get3A_47 {offsets = [11], sizes = [1], strides = [1]} : vector<16xi32> to vector<1xi32>
        %squeeze3A_368 = vector.extract %slice3A_367[0] : i32 from vector<1xi32>
        %mul3A_369 = arith.constant 16 : i32
        %mul3A_370 = arith.muli %add3A_36, %mul3A_369 : i32
        %add3A_371 = arith.constant 11 : i32
        %add3A_372 = arith.addi %mul3A_370, %add3A_371 : i32
        %dma_start3A_373 = arith.constant 0 : i32
        %dma_start3A_374 = tpu.memref_slice %arg11[%add3A_372, %dma_start3A_373] : memref<128x64xf32, #tpu.memory_space<vmem>> -> memref<1x64xf32, #tpu.memory_space<vmem>>
        %dma_start3A_375 = arith.constant 0 : i32
        %dma_start3A_376 = tpu.memref_slice %arg5[%squeeze3A_368, %dma_start3A_375] : memref<100000x64xf32, #tpu.memory_space<hbm>> -> memref<1x64xf32, #tpu.memory_space<hbm>>
        %dma_start3A_377 = arith.constant 0 : i32
        %dma_start3A_378 = tpu.memref_slice %arg11[%add3A_372, %dma_start3A_377] : memref<128x64xf32, #tpu.memory_space<vmem>> -> memref<1x64xf32, #tpu.memory_space<vmem>>
        %dma_start3A_379 = arith.constant 0 : i32
        %dma_start3A_380 = tpu.memref_slice %arg5[%squeeze3A_368, %dma_start3A_379] : memref<100000x64xf32, #tpu.memory_space<hbm>> -> memref<1x64xf32, #tpu.memory_space<hbm>>
        tpu.enqueue_dma source(%dma_start3A_380 : memref<1x64xf32, #tpu.memory_space<hbm>>) target(%dma_start3A_378 : memref<1x64xf32, #tpu.memory_space<vmem>>) target_semaphore(%arg13 : memref<!tpu.dma_semaphore, #tpu.memory_space<semaphore_mem>>)
        %slice3A_381 = vector.extract_strided_slice %get3A_41 {offsets = [12], sizes = [1], strides = [1]} : vector<16xi32> to vector<1xi32>
        %squeeze3A_382 = vector.extract %slice3A_381[0] : i32 from vector<1xi32>
        %mul3A_383 = arith.constant 16 : i32
        %mul3A_384 = arith.muli %add3A_36, %mul3A_383 : i32
        %add3A_385 = arith.constant 12 : i32
        %add3A_386 = arith.addi %mul3A_384, %add3A_385 : i32
        %dma_start3A_387 = arith.constant 0 : i32
        %dma_start3A_388 = tpu.memref_slice %arg10[%add3A_386, %dma_start3A_387] : memref<128x64xf32, #tpu.memory_space<vmem>> -> memref<1x64xf32, #tpu.memory_space<vmem>>
        %dma_start3A_389 = arith.constant 0 : i32
        %dma_start3A_390 = tpu.memref_slice %arg4[%squeeze3A_382, %dma_start3A_389] : memref<1000000x64xf32, #tpu.memory_space<hbm>> -> memref<1x64xf32, #tpu.memory_space<hbm>>
        %dma_start3A_391 = arith.constant 0 : i32
        %dma_start3A_392 = tpu.memref_slice %arg10[%add3A_386, %dma_start3A_391] : memref<128x64xf32, #tpu.memory_space<vmem>> -> memref<1x64xf32, #tpu.memory_space<vmem>>
        %dma_start3A_393 = arith.constant 0 : i32
        %dma_start3A_394 = tpu.memref_slice %arg4[%squeeze3A_382, %dma_start3A_393] : memref<1000000x64xf32, #tpu.memory_space<hbm>> -> memref<1x64xf32, #tpu.memory_space<hbm>>
        tpu.enqueue_dma source(%dma_start3A_394 : memref<1x64xf32, #tpu.memory_space<hbm>>) target(%dma_start3A_392 : memref<1x64xf32, #tpu.memory_space<vmem>>) target_semaphore(%arg12 : memref<!tpu.dma_semaphore, #tpu.memory_space<semaphore_mem>>)
        %slice3A_395 = vector.extract_strided_slice %get3A_47 {offsets = [12], sizes = [1], strides = [1]} : vector<16xi32> to vector<1xi32>
        %squeeze3A_396 = vector.extract %slice3A_395[0] : i32 from vector<1xi32>
        %mul3A_397 = arith.constant 16 : i32
        %mul3A_398 = arith.muli %add3A_36, %mul3A_397 : i32
        %add3A_399 = arith.constant 12 : i32
        %add3A_400 = arith.addi %mul3A_398, %add3A_399 : i32
        %dma_start3A_401 = arith.constant 0 : i32
        %dma_start3A_402 = tpu.memref_slice %arg11[%add3A_400, %dma_start3A_401] : memref<128x64xf32, #tpu.memory_space<vmem>> -> memref<1x64xf32, #tpu.memory_space<vmem>>
        %dma_start3A_403 = arith.constant 0 : i32
        %dma_start3A_404 = tpu.memref_slice %arg5[%squeeze3A_396, %dma_start3A_403] : memref<100000x64xf32, #tpu.memory_space<hbm>> -> memref<1x64xf32, #tpu.memory_space<hbm>>
        %dma_start3A_405 = arith.constant 0 : i32
        %dma_start3A_406 = tpu.memref_slice %arg11[%add3A_400, %dma_start3A_405] : memref<128x64xf32, #tpu.memory_space<vmem>> -> memref<1x64xf32, #tpu.memory_space<vmem>>
        %dma_start3A_407 = arith.constant 0 : i32
        %dma_start3A_408 = tpu.memref_slice %arg5[%squeeze3A_396, %dma_start3A_407] : memref<100000x64xf32, #tpu.memory_space<hbm>> -> memref<1x64xf32, #tpu.memory_space<hbm>>
        tpu.enqueue_dma source(%dma_start3A_408 : memref<1x64xf32, #tpu.memory_space<hbm>>) target(%dma_start3A_406 : memref<1x64xf32, #tpu.memory_space<vmem>>) target_semaphore(%arg13 : memref<!tpu.dma_semaphore, #tpu.memory_space<semaphore_mem>>)
        %slice3A_409 = vector.extract_strided_slice %get3A_41 {offsets = [13], sizes = [1], strides = [1]} : vector<16xi32> to vector<1xi32>
        %squeeze3A_410 = vector.extract %slice3A_409[0] : i32 from vector<1xi32>
        %mul3A_411 = arith.constant 16 : i32
        %mul3A_412 = arith.muli %add3A_36, %mul3A_411 : i32
        %add3A_413 = arith.constant 13 : i32
        %add3A_414 = arith.addi %mul3A_412, %add3A_413 : i32
        %dma_start3A_415 = arith.constant 0 : i32
        %dma_start3A_416 = tpu.memref_slice %arg10[%add3A_414, %dma_start3A_415] : memref<128x64xf32, #tpu.memory_space<vmem>> -> memref<1x64xf32, #tpu.memory_space<vmem>>
        %dma_start3A_417 = arith.constant 0 : i32
        %dma_start3A_418 = tpu.memref_slice %arg4[%squeeze3A_410, %dma_start3A_417] : memref<1000000x64xf32, #tpu.memory_space<hbm>> -> memref<1x64xf32, #tpu.memory_space<hbm>>
        %dma_start3A_419 = arith.constant 0 : i32
        %dma_start3A_420 = tpu.memref_slice %arg10[%add3A_414, %dma_start3A_419] : memref<128x64xf32, #tpu.memory_space<vmem>> -> memref<1x64xf32, #tpu.memory_space<vmem>>
        %dma_start3A_421 = arith.constant 0 : i32
        %dma_start3A_422 = tpu.memref_slice %arg4[%squeeze3A_410, %dma_start3A_421] : memref<1000000x64xf32, #tpu.memory_space<hbm>> -> memref<1x64xf32, #tpu.memory_space<hbm>>
        tpu.enqueue_dma source(%dma_start3A_422 : memref<1x64xf32, #tpu.memory_space<hbm>>) target(%dma_start3A_420 : memref<1x64xf32, #tpu.memory_space<vmem>>) target_semaphore(%arg12 : memref<!tpu.dma_semaphore, #tpu.memory_space<semaphore_mem>>)
        %slice3A_423 = vector.extract_strided_slice %get3A_47 {offsets = [13], sizes = [1], strides = [1]} : vector<16xi32> to vector<1xi32>
        %squeeze3A_424 = vector.extract %slice3A_423[0] : i32 from vector<1xi32>
        %mul3A_425 = arith.constant 16 : i32
        %mul3A_426 = arith.muli %add3A_36, %mul3A_425 : i32
        %add3A_427 = arith.constant 13 : i32
        %add3A_428 = arith.addi %mul3A_426, %add3A_427 : i32
        %dma_start3A_429 = arith.constant 0 : i32
        %dma_start3A_430 = tpu.memref_slice %arg11[%add3A_428, %dma_start3A_429] : memref<128x64xf32, #tpu.memory_space<vmem>> -> memref<1x64xf32, #tpu.memory_space<vmem>>
        %dma_start3A_431 = arith.constant 0 : i32
        %dma_start3A_432 = tpu.memref_slice %arg5[%squeeze3A_424, %dma_start3A_431] : memref<100000x64xf32, #tpu.memory_space<hbm>> -> memref<1x64xf32, #tpu.memory_space<hbm>>
        %dma_start3A_433 = arith.constant 0 : i32
        %dma_start3A_434 = tpu.memref_slice %arg11[%add3A_428, %dma_start3A_433] : memref<128x64xf32, #tpu.memory_space<vmem>> -> memref<1x64xf32, #tpu.memory_space<vmem>>
        %dma_start3A_435 = arith.constant 0 : i32
        %dma_start3A_436 = tpu.memref_slice %arg5[%squeeze3A_424, %dma_start3A_435] : memref<100000x64xf32, #tpu.memory_space<hbm>> -> memref<1x64xf32, #tpu.memory_space<hbm>>
        tpu.enqueue_dma source(%dma_start3A_436 : memref<1x64xf32, #tpu.memory_space<hbm>>) target(%dma_start3A_434 : memref<1x64xf32, #tpu.memory_space<vmem>>) target_semaphore(%arg13 : memref<!tpu.dma_semaphore, #tpu.memory_space<semaphore_mem>>)
        %slice3A_437 = vector.extract_strided_slice %get3A_41 {offsets = [14], sizes = [1], strides = [1]} : vector<16xi32> to vector<1xi32>
        %squeeze3A_438 = vector.extract %slice3A_437[0] : i32 from vector<1xi32>
        %mul3A_439 = arith.constant 16 : i32
        %mul3A_440 = arith.muli %add3A_36, %mul3A_439 : i32
        %add3A_441 = arith.constant 14 : i32
        %add3A_442 = arith.addi %mul3A_440, %add3A_441 : i32
        %dma_start3A_443 = arith.constant 0 : i32
        %dma_start3A_444 = tpu.memref_slice %arg10[%add3A_442, %dma_start3A_443] : memref<128x64xf32, #tpu.memory_space<vmem>> -> memref<1x64xf32, #tpu.memory_space<vmem>>
        %dma_start3A_445 = arith.constant 0 : i32
        %dma_start3A_446 = tpu.memref_slice %arg4[%squeeze3A_438, %dma_start3A_445] : memref<1000000x64xf32, #tpu.memory_space<hbm>> -> memref<1x64xf32, #tpu.memory_space<hbm>>
        %dma_start3A_447 = arith.constant 0 : i32
        %dma_start3A_448 = tpu.memref_slice %arg10[%add3A_442, %dma_start3A_447] : memref<128x64xf32, #tpu.memory_space<vmem>> -> memref<1x64xf32, #tpu.memory_space<vmem>>
        %dma_start3A_449 = arith.constant 0 : i32
        %dma_start3A_450 = tpu.memref_slice %arg4[%squeeze3A_438, %dma_start3A_449] : memref<1000000x64xf32, #tpu.memory_space<hbm>> -> memref<1x64xf32, #tpu.memory_space<hbm>>
        tpu.enqueue_dma source(%dma_start3A_450 : memref<1x64xf32, #tpu.memory_space<hbm>>) target(%dma_start3A_448 : memref<1x64xf32, #tpu.memory_space<vmem>>) target_semaphore(%arg12 : memref<!tpu.dma_semaphore, #tpu.memory_space<semaphore_mem>>)
        %slice3A_451 = vector.extract_strided_slice %get3A_47 {offsets = [14], sizes = [1], strides = [1]} : vector<16xi32> to vector<1xi32>
        %squeeze3A_452 = vector.extract %slice3A_451[0] : i32 from vector<1xi32>
        %mul3A_453 = arith.constant 16 : i32
        %mul3A_454 = arith.muli %add3A_36, %mul3A_453 : i32
        %add3A_455 = arith.constant 14 : i32
        %add3A_456 = arith.addi %mul3A_454, %add3A_455 : i32
        %dma_start3A_457 = arith.constant 0 : i32
        %dma_start3A_458 = tpu.memref_slice %arg11[%add3A_456, %dma_start3A_457] : memref<128x64xf32, #tpu.memory_space<vmem>> -> memref<1x64xf32, #tpu.memory_space<vmem>>
        %dma_start3A_459 = arith.constant 0 : i32
        %dma_start3A_460 = tpu.memref_slice %arg5[%squeeze3A_452, %dma_start3A_459] : memref<100000x64xf32, #tpu.memory_space<hbm>> -> memref<1x64xf32, #tpu.memory_space<hbm>>
        %dma_start3A_461 = arith.constant 0 : i32
        %dma_start3A_462 = tpu.memref_slice %arg11[%add3A_456, %dma_start3A_461] : memref<128x64xf32, #tpu.memory_space<vmem>> -> memref<1x64xf32, #tpu.memory_space<vmem>>
        %dma_start3A_463 = arith.constant 0 : i32
        %dma_start3A_464 = tpu.memref_slice %arg5[%squeeze3A_452, %dma_start3A_463] : memref<100000x64xf32, #tpu.memory_space<hbm>> -> memref<1x64xf32, #tpu.memory_space<hbm>>
        tpu.enqueue_dma source(%dma_start3A_464 : memref<1x64xf32, #tpu.memory_space<hbm>>) target(%dma_start3A_462 : memref<1x64xf32, #tpu.memory_space<vmem>>) target_semaphore(%arg13 : memref<!tpu.dma_semaphore, #tpu.memory_space<semaphore_mem>>)
        %slice3A_465 = vector.extract_strided_slice %get3A_41 {offsets = [15], sizes = [1], strides = [1]} : vector<16xi32> to vector<1xi32>
        %squeeze3A_466 = vector.extract %slice3A_465[0] : i32 from vector<1xi32>
        %mul3A_467 = arith.constant 16 : i32
        %mul3A_468 = arith.muli %add3A_36, %mul3A_467 : i32
        %add3A_469 = arith.constant 15 : i32
        %add3A_470 = arith.addi %mul3A_468, %add3A_469 : i32
        %dma_start3A_471 = arith.constant 0 : i32
        %dma_start3A_472 = tpu.memref_slice %arg10[%add3A_470, %dma_start3A_471] : memref<128x64xf32, #tpu.memory_space<vmem>> -> memref<1x64xf32, #tpu.memory_space<vmem>>
        %dma_start3A_473 = arith.constant 0 : i32
        %dma_start3A_474 = tpu.memref_slice %arg4[%squeeze3A_466, %dma_start3A_473] : memref<1000000x64xf32, #tpu.memory_space<hbm>> -> memref<1x64xf32, #tpu.memory_space<hbm>>
        %dma_start3A_475 = arith.constant 0 : i32
        %dma_start3A_476 = tpu.memref_slice %arg10[%add3A_470, %dma_start3A_475] : memref<128x64xf32, #tpu.memory_space<vmem>> -> memref<1x64xf32, #tpu.memory_space<vmem>>
        %dma_start3A_477 = arith.constant 0 : i32
        %dma_start3A_478 = tpu.memref_slice %arg4[%squeeze3A_466, %dma_start3A_477] : memref<1000000x64xf32, #tpu.memory_space<hbm>> -> memref<1x64xf32, #tpu.memory_space<hbm>>
        tpu.enqueue_dma source(%dma_start3A_478 : memref<1x64xf32, #tpu.memory_space<hbm>>) target(%dma_start3A_476 : memref<1x64xf32, #tpu.memory_space<vmem>>) target_semaphore(%arg12 : memref<!tpu.dma_semaphore, #tpu.memory_space<semaphore_mem>>)
        %slice3A_479 = vector.extract_strided_slice %get3A_47 {offsets = [15], sizes = [1], strides = [1]} : vector<16xi32> to vector<1xi32>
        %squeeze3A_480 = vector.extract %slice3A_479[0] : i32 from vector<1xi32>
        %mul3A_481 = arith.constant 16 : i32
        %mul3A_482 = arith.muli %add3A_36, %mul3A_481 : i32
        %add3A_483 = arith.constant 15 : i32
        %add3A_484 = arith.addi %mul3A_482, %add3A_483 : i32
        %dma_start3A_485 = arith.constant 0 : i32
        %dma_start3A_486 = tpu.memref_slice %arg11[%add3A_484, %dma_start3A_485] : memref<128x64xf32, #tpu.memory_space<vmem>> -> memref<1x64xf32, #tpu.memory_space<vmem>>
        %dma_start3A_487 = arith.constant 0 : i32
        %dma_start3A_488 = tpu.memref_slice %arg5[%squeeze3A_480, %dma_start3A_487] : memref<100000x64xf32, #tpu.memory_space<hbm>> -> memref<1x64xf32, #tpu.memory_space<hbm>>
        %dma_start3A_489 = arith.constant 0 : i32
        %dma_start3A_490 = tpu.memref_slice %arg11[%add3A_484, %dma_start3A_489] : memref<128x64xf32, #tpu.memory_space<vmem>> -> memref<1x64xf32, #tpu.memory_space<vmem>>
        %dma_start3A_491 = arith.constant 0 : i32
        %dma_start3A_492 = tpu.memref_slice %arg5[%squeeze3A_480, %dma_start3A_491] : memref<100000x64xf32, #tpu.memory_space<hbm>> -> memref<1x64xf32, #tpu.memory_space<hbm>>
        tpu.enqueue_dma source(%dma_start3A_492 : memref<1x64xf32, #tpu.memory_space<hbm>>) target(%dma_start3A_490 : memref<1x64xf32, #tpu.memory_space<vmem>>) target_semaphore(%arg13 : memref<!tpu.dma_semaphore, #tpu.memory_space<semaphore_mem>>)
      }
      %scan3A_18 = arith.constant 8 : i32
      %dma_wait3A = arith.constant 0 : i32
      %dma_wait3A_19 = arith.constant 0 : i32
      %dma_wait3A_20 = tpu.memref_slice %arg4[%dma_wait3A, %dma_wait3A_19] : memref<1000000x64xf32, #tpu.memory_space<hbm>> -> memref<128x64xf32, #tpu.memory_space<hbm>>
      %dma_wait3A_21 = arith.constant 0 : i32
      %dma_wait3A_22 = arith.constant 0 : i32
      %dma_wait3A_23 = tpu.memref_slice %arg4[%dma_wait3A_21, %dma_wait3A_22] : memref<1000000x64xf32, #tpu.memory_space<hbm>> -> memref<128x64xf32, #tpu.memory_space<hbm>>
      tpu.wait_dma2 semaphore(%arg12 : memref<!tpu.dma_semaphore, #tpu.memory_space<semaphore_mem>>) src(%dma_wait3A_23 : memref<128x64xf32, #tpu.memory_space<hbm>>) dst(%arg10 : memref<128x64xf32, #tpu.memory_space<vmem>>)
      %dma_wait3A_24 = arith.constant 0 : i32
      %dma_wait3A_25 = arith.constant 0 : i32
      %dma_wait3A_26 = tpu.memref_slice %arg5[%dma_wait3A_24, %dma_wait3A_25] : memref<100000x64xf32, #tpu.memory_space<hbm>> -> memref<128x64xf32, #tpu.memory_space<hbm>>
      %dma_wait3A_27 = arith.constant 0 : i32
      %dma_wait3A_28 = arith.constant 0 : i32
      %dma_wait3A_29 = tpu.memref_slice %arg5[%dma_wait3A_27, %dma_wait3A_28] : memref<100000x64xf32, #tpu.memory_space<hbm>> -> memref<128x64xf32, #tpu.memory_space<hbm>>
      tpu.wait_dma2 semaphore(%arg13 : memref<!tpu.dma_semaphore, #tpu.memory_space<semaphore_mem>>) src(%dma_wait3A_29 : memref<128x64xf32, #tpu.memory_space<hbm>>) dst(%arg11 : memref<128x64xf32, #tpu.memory_space<vmem>>)
      %add3A_30 = arith.addi %mul3A_2, %mul3A_13 : i32
      "tpu.region"() ({
        %run_scoped3A = tpu.sem_alloc : memref<!tpu.dma_semaphore, #tpu.memory_space<semaphore_mem>>
        %dma_start3A = arith.constant 0 : i32
        %dma_start3A_32 = tpu.memref_slice %arg6[%add3A_30, %dma_start3A] : memref<16384x64xf32, #tpu.memory_space<hbm>> -> memref<128x64xf32, #tpu.memory_space<hbm>>
        %dma_start3A_33 = arith.constant 0 : i32
        %dma_start3A_34 = tpu.memref_slice %arg6[%add3A_30, %dma_start3A_33] : memref<16384x64xf32, #tpu.memory_space<hbm>> -> memref<128x64xf32, #tpu.memory_space<hbm>>
        tpu.enqueue_dma source(%arg10 : memref<128x64xf32, #tpu.memory_space<vmem>>) target(%dma_start3A_34 : memref<128x64xf32, #tpu.memory_space<hbm>>) target_semaphore(%run_scoped3A : memref<!tpu.dma_semaphore, #tpu.memory_space<semaphore_mem>>)
        %dma_wait3A_35 = arith.constant 0 : i32
        %dma_wait3A_36 = tpu.memref_slice %arg6[%add3A_30, %dma_wait3A_35] : memref<16384x64xf32, #tpu.memory_space<hbm>> -> memref<128x64xf32, #tpu.memory_space<hbm>>
        %dma_wait3A_37 = arith.constant 0 : i32
        %dma_wait3A_38 = tpu.memref_slice %arg6[%add3A_30, %dma_wait3A_37] : memref<16384x64xf32, #tpu.memory_space<hbm>> -> memref<128x64xf32, #tpu.memory_space<hbm>>
        tpu.wait_dma2 semaphore(%run_scoped3A : memref<!tpu.dma_semaphore, #tpu.memory_space<semaphore_mem>>) src(%arg10 : memref<128x64xf32, #tpu.memory_space<vmem>>) dst(%dma_wait3A_38 : memref<128x64xf32, #tpu.memory_space<hbm>>)
        tpu.yield
      }) : () -> ()
      %add3A_31 = arith.addi %mul3A_2, %mul3A_13 : i32
      "tpu.region"() ({
        %run_scoped3A = tpu.sem_alloc : memref<!tpu.dma_semaphore, #tpu.memory_space<semaphore_mem>>
        %dma_start3A = arith.constant 0 : i32
        %dma_start3A_32 = tpu.memref_slice %arg7[%add3A_31, %dma_start3A] : memref<16384x64xf32, #tpu.memory_space<hbm>> -> memref<128x64xf32, #tpu.memory_space<hbm>>
        %dma_start3A_33 = arith.constant 0 : i32
        %dma_start3A_34 = tpu.memref_slice %arg7[%add3A_31, %dma_start3A_33] : memref<16384x64xf32, #tpu.memory_space<hbm>> -> memref<128x64xf32, #tpu.memory_space<hbm>>
        tpu.enqueue_dma source(%arg11 : memref<128x64xf32, #tpu.memory_space<vmem>>) target(%dma_start3A_34 : memref<128x64xf32, #tpu.memory_space<hbm>>) target_semaphore(%run_scoped3A : memref<!tpu.dma_semaphore, #tpu.memory_space<semaphore_mem>>)
        %dma_wait3A_35 = arith.constant 0 : i32
        %dma_wait3A_36 = tpu.memref_slice %arg7[%add3A_31, %dma_wait3A_35] : memref<16384x64xf32, #tpu.memory_space<hbm>> -> memref<128x64xf32, #tpu.memory_space<hbm>>
        %dma_wait3A_37 = arith.constant 0 : i32
        %dma_wait3A_38 = tpu.memref_slice %arg7[%add3A_31, %dma_wait3A_37] : memref<16384x64xf32, #tpu.memory_space<hbm>> -> memref<128x64xf32, #tpu.memory_space<hbm>>
        tpu.wait_dma2 semaphore(%run_scoped3A : memref<!tpu.dma_semaphore, #tpu.memory_space<semaphore_mem>>) src(%arg11 : memref<128x64xf32, #tpu.memory_space<vmem>>) dst(%dma_wait3A_38 : memref<128x64xf32, #tpu.memory_space<hbm>>)
        tpu.yield
      }) : () -> ()
    }
    %scan3A_6 = arith.constant 4 : i32
    return
  }
}

module attributes {stable_mosaic.version = 14 : i64} {
  func.func @_mlp_body(%arg0: memref<16384x64xf32, #tpu.memory_space<vmem>>, %arg1: memref<16384x64xf32, #tpu.memory_space<vmem>>, %arg2: memref<64x64xf32, #tpu.memory_space<vmem>>, %arg3: memref<64x64xf32, #tpu.memory_space<vmem>>, %arg4: memref<1x64xf32, #tpu.memory_space<vmem>>, %arg5: memref<64x32xf32, #tpu.memory_space<vmem>>, %arg6: memref<1x32xf32, #tpu.memory_space<vmem>>, %arg7: memref<32x16xf32, #tpu.memory_space<vmem>>, %arg8: memref<1x16xf32, #tpu.memory_space<vmem>>, %arg9: memref<16x1xf32, #tpu.memory_space<vmem>>, %arg10: memref<1x1xf32, #tpu.memory_space<vmem>>, %arg11: memref<16384x1xf32, #tpu.memory_space<vmem>>) attributes {dimension_semantics = [], scalar_prefetch = 0 : i64, scratch_operands = 0 : i64, tpu.core_type = #tpu.core_type<tc>} {
    %get3A = arith.constant 0 : index
    %get3A_0 = arith.constant 0 : index
    %get3A_1 = vector.load %arg0[%get3A, %get3A_0] : memref<16384x64xf32, #tpu.memory_space<vmem>>, vector<16384x64xf32>
    %get3A_2 = arith.constant 0 : index
    %get3A_3 = arith.constant 0 : index
    %get3A_4 = vector.load %arg2[%get3A_2, %get3A_3] : memref<64x64xf32, #tpu.memory_space<vmem>>, vector<64x64xf32>
    %dot_general3A = arith.constant dense<0.000000e+00> : vector<16384x64xf32>
    %dot_general3A_5 = tpu.matmul %get3A_1, %get3A_4, %dot_general3A {dimension_numbers = #tpu.dot_dimension_numbers<[1], [0], [0], [1], [0, 0, 1, 1], [], []>, transpose_lhs_hint = false} : vector<16384x64xf32>, vector<64x64xf32>, vector<16384x64xf32> -> vector<16384x64xf32>
    %get3A_6 = arith.constant 0 : index
    %get3A_7 = arith.constant 0 : index
    %get3A_8 = vector.load %arg1[%get3A_6, %get3A_7] : memref<16384x64xf32, #tpu.memory_space<vmem>>, vector<16384x64xf32>
    %get3A_9 = arith.constant 0 : index
    %get3A_10 = arith.constant 0 : index
    %get3A_11 = vector.load %arg3[%get3A_9, %get3A_10] : memref<64x64xf32, #tpu.memory_space<vmem>>, vector<64x64xf32>
    %dot_general3A_12 = arith.constant dense<0.000000e+00> : vector<16384x64xf32>
    %dot_general3A_13 = tpu.matmul %get3A_8, %get3A_11, %dot_general3A_12 {dimension_numbers = #tpu.dot_dimension_numbers<[1], [0], [0], [1], [0, 0, 1, 1], [], []>, transpose_lhs_hint = false} : vector<16384x64xf32>, vector<64x64xf32>, vector<16384x64xf32> -> vector<16384x64xf32>
    %add3A = arith.addf %dot_general3A_5, %dot_general3A_13 : vector<16384x64xf32>
    %get3A_14 = arith.constant 0 : index
    %get3A_15 = arith.constant 0 : index
    %get3A_16 = vector.load %arg4[%get3A_14, %get3A_15] : memref<1x64xf32, #tpu.memory_space<vmem>>, vector<1x64xf32>
    %add3A_17 = vector.broadcast %get3A_16 : vector<1x64xf32> to vector<16384x64xf32>
    %add3A_18 = arith.addf %add3A, %add3A_17 : vector<16384x64xf32>
    %broadcast_in_dim3A = arith.constant 1.000000e+00 : f32
    %broadcast_in_dim3A_19 = vector.broadcast %broadcast_in_dim3A : f32 to vector<1x16384xf32>
    %dot_general3A_20 = arith.constant dense<0.000000e+00> : vector<1x64xf32>
    %dot_general3A_21 = tpu.matmul %broadcast_in_dim3A_19, %add3A_18, %dot_general3A_20 {dimension_numbers = #tpu.dot_dimension_numbers<[1], [0], [0], [1], [0, 0, 1, 1], [], []>, transpose_lhs_hint = false} : vector<1x16384xf32>, vector<16384x64xf32>, vector<1x64xf32> -> vector<1x64xf32>
    %mul3A = arith.mulf %add3A_18, %add3A_18 : vector<16384x64xf32>
    %dot_general3A_22 = arith.constant dense<0.000000e+00> : vector<1x64xf32>
    %dot_general3A_23 = tpu.matmul %broadcast_in_dim3A_19, %mul3A, %dot_general3A_22 {dimension_numbers = #tpu.dot_dimension_numbers<[1], [0], [0], [1], [0, 0, 1, 1], [], []>, transpose_lhs_hint = false} : vector<1x16384xf32>, vector<16384x64xf32>, vector<1x64xf32> -> vector<1x64xf32>
    %mul3A_24 = arith.constant 6.10351563E-5 : f32
    %mul3A_25 = vector.broadcast %mul3A_24 : f32 to vector<1x64xf32>
    %mul3A_26 = arith.mulf %dot_general3A_21, %mul3A_25 : vector<1x64xf32>
    %mul3A_27 = arith.constant 6.10351563E-5 : f32
    %mul3A_28 = vector.broadcast %mul3A_27 : f32 to vector<1x64xf32>
    %mul3A_29 = arith.mulf %dot_general3A_23, %mul3A_28 : vector<1x64xf32>
    %mul3A_30 = arith.mulf %mul3A_26, %mul3A_26 : vector<1x64xf32>
    %sub3A = arith.subf %mul3A_29, %mul3A_30 : vector<1x64xf32>
    %add3A_31 = arith.constant 9.99999974E-6 : f32
    %add3A_32 = vector.broadcast %add3A_31 : f32 to vector<1x64xf32>
    %add3A_33 = arith.addf %sub3A, %add3A_32 : vector<1x64xf32>
    %rsqrt3A = math.rsqrt %add3A_33 : vector<1x64xf32>
    %mul3A_34 = vector.broadcast %rsqrt3A : vector<1x64xf32> to vector<16384x64xf32>
    %mul3A_35 = arith.mulf %add3A_18, %mul3A_34 : vector<16384x64xf32>
    %mul3A_36 = arith.mulf %mul3A_26, %rsqrt3A : vector<1x64xf32>
    %sub3A_37 = vector.broadcast %mul3A_36 : vector<1x64xf32> to vector<16384x64xf32>
    %sub3A_38 = arith.subf %mul3A_35, %sub3A_37 : vector<16384x64xf32>
    %max3A = arith.constant 0.000000e+00 : f32
    %max3A_39 = vector.broadcast %max3A : f32 to vector<16384x64xf32>
    %max3A_40 = arith.maximumf %sub3A_38, %max3A_39 : vector<16384x64xf32>
    %get3A_41 = arith.constant 0 : index
    %get3A_42 = arith.constant 0 : index
    %get3A_43 = vector.load %arg5[%get3A_41, %get3A_42] : memref<64x32xf32, #tpu.memory_space<vmem>>, vector<64x32xf32>
    %dot_general3A_44 = arith.constant dense<0.000000e+00> : vector<16384x32xf32>
    %dot_general3A_45 = tpu.matmul %max3A_40, %get3A_43, %dot_general3A_44 {dimension_numbers = #tpu.dot_dimension_numbers<[1], [0], [0], [1], [0, 0, 1, 1], [], []>, transpose_lhs_hint = false} : vector<16384x64xf32>, vector<64x32xf32>, vector<16384x32xf32> -> vector<16384x32xf32>
    %get3A_46 = arith.constant 0 : index
    %get3A_47 = arith.constant 0 : index
    %get3A_48 = vector.load %arg6[%get3A_46, %get3A_47] : memref<1x32xf32, #tpu.memory_space<vmem>>, vector<1x32xf32>
    %add3A_49 = vector.broadcast %get3A_48 : vector<1x32xf32> to vector<16384x32xf32>
    %add3A_50 = arith.addf %dot_general3A_45, %add3A_49 : vector<16384x32xf32>
    %broadcast_in_dim3A_51 = arith.constant 1.000000e+00 : f32
    %broadcast_in_dim3A_52 = vector.broadcast %broadcast_in_dim3A_51 : f32 to vector<1x16384xf32>
    %dot_general3A_53 = arith.constant dense<0.000000e+00> : vector<1x32xf32>
    %dot_general3A_54 = tpu.matmul %broadcast_in_dim3A_52, %add3A_50, %dot_general3A_53 {dimension_numbers = #tpu.dot_dimension_numbers<[1], [0], [0], [1], [0, 0, 1, 1], [], []>, transpose_lhs_hint = false} : vector<1x16384xf32>, vector<16384x32xf32>, vector<1x32xf32> -> vector<1x32xf32>
    %mul3A_55 = arith.mulf %add3A_50, %add3A_50 : vector<16384x32xf32>
    %dot_general3A_56 = arith.constant dense<0.000000e+00> : vector<1x32xf32>
    %dot_general3A_57 = tpu.matmul %broadcast_in_dim3A_52, %mul3A_55, %dot_general3A_56 {dimension_numbers = #tpu.dot_dimension_numbers<[1], [0], [0], [1], [0, 0, 1, 1], [], []>, transpose_lhs_hint = false} : vector<1x16384xf32>, vector<16384x32xf32>, vector<1x32xf32> -> vector<1x32xf32>
    %mul3A_58 = arith.constant 6.10351563E-5 : f32
    %mul3A_59 = vector.broadcast %mul3A_58 : f32 to vector<1x32xf32>
    %mul3A_60 = arith.mulf %dot_general3A_54, %mul3A_59 : vector<1x32xf32>
    %mul3A_61 = arith.constant 6.10351563E-5 : f32
    %mul3A_62 = vector.broadcast %mul3A_61 : f32 to vector<1x32xf32>
    %mul3A_63 = arith.mulf %dot_general3A_57, %mul3A_62 : vector<1x32xf32>
    %mul3A_64 = arith.mulf %mul3A_60, %mul3A_60 : vector<1x32xf32>
    %sub3A_65 = arith.subf %mul3A_63, %mul3A_64 : vector<1x32xf32>
    %add3A_66 = arith.constant 9.99999974E-6 : f32
    %add3A_67 = vector.broadcast %add3A_66 : f32 to vector<1x32xf32>
    %add3A_68 = arith.addf %sub3A_65, %add3A_67 : vector<1x32xf32>
    %rsqrt3A_69 = math.rsqrt %add3A_68 : vector<1x32xf32>
    %mul3A_70 = vector.broadcast %rsqrt3A_69 : vector<1x32xf32> to vector<16384x32xf32>
    %mul3A_71 = arith.mulf %add3A_50, %mul3A_70 : vector<16384x32xf32>
    %mul3A_72 = arith.mulf %mul3A_60, %rsqrt3A_69 : vector<1x32xf32>
    %sub3A_73 = vector.broadcast %mul3A_72 : vector<1x32xf32> to vector<16384x32xf32>
    %sub3A_74 = arith.subf %mul3A_71, %sub3A_73 : vector<16384x32xf32>
    %max3A_75 = arith.constant 0.000000e+00 : f32
    %max3A_76 = vector.broadcast %max3A_75 : f32 to vector<16384x32xf32>
    %max3A_77 = arith.maximumf %sub3A_74, %max3A_76 : vector<16384x32xf32>
    %get3A_78 = arith.constant 0 : index
    %get3A_79 = arith.constant 0 : index
    %get3A_80 = vector.load %arg7[%get3A_78, %get3A_79] : memref<32x16xf32, #tpu.memory_space<vmem>>, vector<32x16xf32>
    %dot_general3A_81 = arith.constant dense<0.000000e+00> : vector<16384x16xf32>
    %dot_general3A_82 = tpu.matmul %max3A_77, %get3A_80, %dot_general3A_81 {dimension_numbers = #tpu.dot_dimension_numbers<[1], [0], [0], [1], [0, 0, 1, 1], [], []>, transpose_lhs_hint = false} : vector<16384x32xf32>, vector<32x16xf32>, vector<16384x16xf32> -> vector<16384x16xf32>
    %get3A_83 = arith.constant 0 : index
    %get3A_84 = arith.constant 0 : index
    %get3A_85 = vector.load %arg8[%get3A_83, %get3A_84] : memref<1x16xf32, #tpu.memory_space<vmem>>, vector<1x16xf32>
    %add3A_86 = vector.broadcast %get3A_85 : vector<1x16xf32> to vector<16384x16xf32>
    %add3A_87 = arith.addf %dot_general3A_82, %add3A_86 : vector<16384x16xf32>
    %broadcast_in_dim3A_88 = arith.constant 1.000000e+00 : f32
    %broadcast_in_dim3A_89 = vector.broadcast %broadcast_in_dim3A_88 : f32 to vector<1x16384xf32>
    %dot_general3A_90 = arith.constant dense<0.000000e+00> : vector<1x16xf32>
    %dot_general3A_91 = tpu.matmul %broadcast_in_dim3A_89, %add3A_87, %dot_general3A_90 {dimension_numbers = #tpu.dot_dimension_numbers<[1], [0], [0], [1], [0, 0, 1, 1], [], []>, transpose_lhs_hint = false} : vector<1x16384xf32>, vector<16384x16xf32>, vector<1x16xf32> -> vector<1x16xf32>
    %mul3A_92 = arith.mulf %add3A_87, %add3A_87 : vector<16384x16xf32>
    %dot_general3A_93 = arith.constant dense<0.000000e+00> : vector<1x16xf32>
    %dot_general3A_94 = tpu.matmul %broadcast_in_dim3A_89, %mul3A_92, %dot_general3A_93 {dimension_numbers = #tpu.dot_dimension_numbers<[1], [0], [0], [1], [0, 0, 1, 1], [], []>, transpose_lhs_hint = false} : vector<1x16384xf32>, vector<16384x16xf32>, vector<1x16xf32> -> vector<1x16xf32>
    %mul3A_95 = arith.constant 6.10351563E-5 : f32
    %mul3A_96 = vector.broadcast %mul3A_95 : f32 to vector<1x16xf32>
    %mul3A_97 = arith.mulf %dot_general3A_91, %mul3A_96 : vector<1x16xf32>
    %mul3A_98 = arith.constant 6.10351563E-5 : f32
    %mul3A_99 = vector.broadcast %mul3A_98 : f32 to vector<1x16xf32>
    %mul3A_100 = arith.mulf %dot_general3A_94, %mul3A_99 : vector<1x16xf32>
    %mul3A_101 = arith.mulf %mul3A_97, %mul3A_97 : vector<1x16xf32>
    %sub3A_102 = arith.subf %mul3A_100, %mul3A_101 : vector<1x16xf32>
    %add3A_103 = arith.constant 9.99999974E-6 : f32
    %add3A_104 = vector.broadcast %add3A_103 : f32 to vector<1x16xf32>
    %add3A_105 = arith.addf %sub3A_102, %add3A_104 : vector<1x16xf32>
    %rsqrt3A_106 = math.rsqrt %add3A_105 : vector<1x16xf32>
    %mul3A_107 = vector.broadcast %rsqrt3A_106 : vector<1x16xf32> to vector<16384x16xf32>
    %mul3A_108 = arith.mulf %add3A_87, %mul3A_107 : vector<16384x16xf32>
    %mul3A_109 = arith.mulf %mul3A_97, %rsqrt3A_106 : vector<1x16xf32>
    %sub3A_110 = vector.broadcast %mul3A_109 : vector<1x16xf32> to vector<16384x16xf32>
    %sub3A_111 = arith.subf %mul3A_108, %sub3A_110 : vector<16384x16xf32>
    %max3A_112 = arith.constant 0.000000e+00 : f32
    %max3A_113 = vector.broadcast %max3A_112 : f32 to vector<16384x16xf32>
    %max3A_114 = arith.maximumf %sub3A_111, %max3A_113 : vector<16384x16xf32>
    %get3A_115 = arith.constant 0 : index
    %get3A_116 = arith.constant 0 : index
    %get3A_117 = vector.load %arg9[%get3A_115, %get3A_116] : memref<16x1xf32, #tpu.memory_space<vmem>>, vector<16x1xf32>
    %dot_general3A_118 = arith.constant dense<0.000000e+00> : vector<16384x1xf32>
    %dot_general3A_119 = tpu.matmul %max3A_114, %get3A_117, %dot_general3A_118 {dimension_numbers = #tpu.dot_dimension_numbers<[1], [0], [0], [1], [0, 0, 1, 1], [], []>, transpose_lhs_hint = false} : vector<16384x16xf32>, vector<16x1xf32>, vector<16384x1xf32> -> vector<16384x1xf32>
    %get3A_120 = arith.constant 0 : index
    %get3A_121 = arith.constant 0 : index
    %get3A_122 = vector.load %arg10[%get3A_120, %get3A_121] : memref<1x1xf32, #tpu.memory_space<vmem>>, vector<1x1xf32>
    %add3A_123 = vector.broadcast %get3A_122 : vector<1x1xf32> to vector<16384x1xf32>
    %add3A_124 = arith.addf %dot_general3A_119, %add3A_123 : vector<16384x1xf32>
    %logistic3A = arith.negf %add3A_124 : vector<16384x1xf32>
    %logistic3A_125 = math.exp %logistic3A : vector<16384x1xf32>
    %logistic3A_126 = arith.constant 1.000000e+00 : f32
    %logistic3A_127 = vector.broadcast %logistic3A_126 : f32 to vector<16384x1xf32>
    %logistic3A_128 = arith.addf %logistic3A_127, %logistic3A_125 : vector<16384x1xf32>
    %logistic3A_129 = arith.divf %logistic3A_127, %logistic3A_128 : vector<16384x1xf32>
    %mul3A_130 = arith.constant 5.000000e+00 : f32
    %mul3A_131 = vector.broadcast %mul3A_130 : f32 to vector<16384x1xf32>
    %mul3A_132 = arith.mulf %logistic3A_129, %mul3A_131 : vector<16384x1xf32>
    %add3A_133 = arith.constant 1.000000e+00 : f32
    %add3A_134 = vector.broadcast %add3A_133 : f32 to vector<16384x1xf32>
    %add3A_135 = arith.addf %mul3A_132, %add3A_134 : vector<16384x1xf32>
    %swap3A = arith.constant 0 : index
    %swap3A_136 = arith.constant 0 : index
    %swap3A_137 = vector.load %arg11[%swap3A, %swap3A_136] : memref<16384x1xf32, #tpu.memory_space<vmem>>, vector<16384x1xf32>
    tpu.vector_store %arg11[%swap3A, %swap3A_136], %add3A_135 {strides = array<i32>} : memref<16384x1xf32, #tpu.memory_space<vmem>>, vector<16384x1xf32>,
    return
  }
}

</mosaic_0001>

<sc_bundles>
// kernel: kernel.4.cloned.1.call-start
scs
__scs_entry_jumppad:
0x0: {  	(pc) =	sbr.rel $0x88, $3  }
0x1: {  	(tag) =	ssettag $0x0;
	lr =	simm.s32 $0x1  }
0x2: {  	[smem:$0x3F95] =	sst lr;
	_ =	strace $0xD0000000  }
0x3: {  	_ = 	snop  }
0x4: {  	_ = 	snop  }
0x5: {  	_ = 	snop  }
0x6: {  	_ = 	snop  }
0x7: {  	_ = 	snop  }
__scs_overlays_trampoline_lowered:
0x8: {  	[smem:$0x3FA4] =	sst s0  }
0x9: {  	[smem:$0x3FA5] =	sst s1  }
0xa: {  	[smem:$0x3FA6] =	sst s2  }
0xb: {  	[smem:$0x3FA7] =	sst s3  }
0xc: {  	[smem:$0x3FA8] =	sst s4  }
0xd: {  	[smem:$0x3FA9] =	sst s5  }
0xe: {  	[smem:$0x3FAA] =	sst s6  }
0xf: {  	[smem:$0x3FAB] =	sst s7  }
0x10: {  	[smem:$0x3FAC] =	sst s8  }
0x11: {  	[smem:$0x3FAD] =	sst s9;
	s0 =	simm.s32 @!p0 $0x0  }
0x12: {  	s1 =	sld [smem:$0x3F93];
	s0 =	simm.s32 @p0 $0x1  }
0x13: {  	[smem:$0x3FAE] =	sst s0;
	s0 =	simm.s32 @!p1 $0x0  }
0x14: {  	s2 =	sld [smem:$0x3F92];
	s0 =	simm.s32 @p1 $0x1  }
0x15: {  	[smem:$0x3FAF] =	sst s0;
	s0 =	simm.s32 @!p2 $0x0  }
0x16: {  	s3 =	sld [smem:$0x3FDB];
	s0 =	simm.s32 @p2 $0x1  }
0x17: {  	s4 =	simm.s32 $0x1BF5;
	[smem:$0x3FB1] =	sst s0  }
0x18: {  	s0 =	sld [smem:$0x3F94];
	_ =	swait.ge [sflag:s4], $0x0  }
0x19: {  	s7 =	sld [smem:$0x3F95]  }
0x1a: {  	s8 =	sadd.s32 $0xFFFFE003, lr  }
0x1b: {  	s9 =	sadd.s32 $0xFFFFFEF7, lr;
	s5 =	simm.s32 $0xFFFFFFFF;
	p2 =	slt.u32 s8, $0xFFFFF086  }
0x1c: {  	p1 =	slt.u32 s9, $0xF7A;
	s5 =	simm.s32 @!p2 $0x0  }
0x1d: {  	s5 =	simm.s32 @p1 $0x1;
	p0 =	seq.s32 s7, s2  }
0x1e: {  	s7 =	smul.u32 @!p0 $0xF7A, s2;
	p2 =	seq.s32 @!p0 s5, $0x0  }
0x1f: {  	s9 =	smul.u32 $0xF7A, s1;
	s8 =	simm.s32 @!p0 $0x1BF5;
	p2 =	por !p2, p0  }
0x20: {  	[sflag:s8] =	ssyncset.s32 @!p0 $0xFFFFF086;
	s6 =	sadd.s32 @!p0 s3, s7;
	s7 =	simm.s32 @!p0 $0x108  }
0x21: {  	s3 =	sadd.s32 s3, s9;
	s6 =	sadd.s32 @!p0 $0x88, s6;
	s7 =	simm.s32 @p2 $0x1082  }
0x22: {  	[simem:s7], [sflag:s8] =	dma.local @!p0 [hbm:s6], $0xF7A  }
0x23: {  	s9 =	sor.u32 $0xD0000000, s2;
	s6 =	simm.s32 $0x108;
	_ =	swait.ge @!p0 [sflag:s8], $0x0  }
0x24: {  	s3 =	sadd.s32 $0x88, s3;
	s6 =	simm.s32 @!p1 $0x1082;
	[sflag:s4] =	ssyncset.s32 $0xFFFFF086  }
0x25: {  	[simem:s6], [sflag:s4] =	dma.local [hbm:s3], $0xF7A  }
0x26: {  	[smem:$0x3F95] =	sst s1;
	(tag) =	ssettag s2;
	_ =	strace s9  }
0x27: {  	s1 =	sld [smem:$0x3FA5]  }
0x28: {  	s2 =	sld [smem:$0x3FA6]  }
0x29: {  	s4 =	sld [smem:$0x3FA8]  }
0x2a: {  	p0 =	seq.s32 s5, $0x0;
	s5 =	sld [smem:$0x3FA9]  }
0x2b: {  	s6 =	sld [smem:$0x3FAA]  }
0x2c: {  	s7 =	sld [smem:$0x3FAB]  }
0x2d: {  	s3 =	simm.s32 $0x108;
	s8 =	sld [smem:$0x3FAC]  }
0x2e: {  	s3 =	simm.s32 @!p0 $0x1082;
	s9 =	sld [smem:$0x3FAD]  }
0x2f: {  	lr =	sadd.s32 s0, s3;
	s0 =	sld [smem:$0x3FA4]  }
0x30: {  	s3 =	sld [smem:$0x3FA7]  }
0x31: {  	[smem:$0x3FB0] =	sst s10  }
0x32: {  	s10 =	sld [smem:$0x3FAE];
	_ =	sdelay $0x3  }
0x33: {  	p0 =	seq.s32 s10, $0x1;
	s10 =	sld [smem:$0x3FB0];
	_ =	sdelay $0x3  }
0x34: {  	[smem:$0x3FB0] =	sst s10  }
0x35: {  	s10 =	sld [smem:$0x3FAF];
	_ =	sdelay $0x3  }
0x36: {  	p1 =	seq.s32 s10, $0x1;
	s10 =	sld [smem:$0x3FB0];
	_ =	sdelay $0x3  }
0x37: {  	[smem:$0x3FB0] =	sst s10  }
0x38: {  	s10 =	sld [smem:$0x3FB1]  }
0x39: {  	_ = 	snop;
	(pc) =	sbr.ind lr, $3  }
0x3a: {  	_ = 	snop  }
0x3b: {  	_ = 	snop  }
0x3c: {  	p2 =	seq.s32 s10, $0x1;
	s10 =	sld [smem:$0x3FB0]  }
0x3d: {  	_ =	shalt  }
0x3e: {  	_ =	shalt  }
0x3f: {  	_ =	shalt  }
0x40: {  	_ =	shalt  }
0x41: {  	_ =	shalt  }
0x42: {  	_ =	shalt  }
0x43: {  	_ =	shalt  }
0x44: {  	_ =	shalt  }
0x45: {  	_ =	shalt  }
0x46: {  	_ =	shalt  }
0x47: {  	_ =	shalt  }
0x48: {  	_ =	shalt  }
0x49: {  	_ =	shalt  }
0x4a: {  	_ =	shalt  }
0x4b: {  	_ =	shalt  }
0x4c: {  	_ =	shalt  }
0x4d: {  	_ =	shalt  }
0x4e: {  	_ =	shalt  }
0x4f: {  	_ =	shalt  }
0x50: {  	_ =	shalt  }
0x51: {  	_ =	shalt  }
0x52: {  	_ =	shalt  }
0x53: {  	_ =	shalt  }
0x54: {  	_ =	shalt  }
0x55: {  	_ =	shalt  }
0x56: {  	_ =	shalt  }
0x57: {  	_ =	shalt  }
0x58: {  	_ =	shalt  }
0x59: {  	_ =	shalt  }
0x5a: {  	_ =	shalt  }
0x5b: {  	_ =	shalt  }
0x5c: {  	_ =	shalt  }
0x5d: {  	_ =	shalt  }
0x5e: {  	_ =	shalt  }
0x5f: {  	_ =	shalt  }
0x60: {  	_ =	shalt  }
0x61: {  	_ =	shalt  }
0x62: {  	_ =	shalt  }
0x63: {  	_ =	shalt  }
0x64: {  	_ =	shalt  }
0x65: {  	_ =	shalt  }
0x66: {  	_ =	shalt  }
0x67: {  	_ =	shalt  }
0x68: {  	_ =	shalt  }
0x69: {  	_ =	shalt  }
0x6a: {  	_ =	shalt  }
0x6b: {  	_ =	shalt  }
0x6c: {  	_ =	shalt  }
0x6d: {  	_ =	shalt  }
0x6e: {  	_ =	shalt  }
0x6f: {  	_ =	shalt  }
0x70: {  	_ =	shalt  }
0x71: {  	_ =	shalt  }
0x72: {  	_ =	shalt  }
0x73: {  	_ =	shalt  }
0x74: {  	_ =	shalt  }
0x75: {  	_ =	shalt  }
0x76: {  	_ =	shalt  }
0x77: {  	_ =	shalt  }
0x78: {  	_ =	shalt  }
0x79: {  	_ =	shalt  }
0x7a: {  	_ =	shalt  }
0x7b: {  	_ =	shalt  }
0x7c: {  	_ =	shalt  }
0x7d: {  	_ =	shalt  }
0x7e: {  	_ =	shalt  }
0x7f: {  	_ =	shalt  }
0x80: {  	_ =	shalt  }
0x81: {  	_ =	shalt  }
0x82: {  	_ =	shalt  }
0x83: {  	_ =	shalt  }
0x84: {  	_ =	shalt  }
0x85: {  	_ =	shalt  }
0x86: {  	_ =	shalt  }
0x87: {  	_ =	shalt  }
.Lfunc_end0:
.L_simem_size_0:
called_computation_lowered:
.L_overlay_start_0:
0x88: {  	s2 =	sld [smem:$0x3FD9]  }
0x89: {  	s3 =	sld [smem:$0x3FFE];
	_ =	sdelay $0x1  }
0x8a: {  	s1 =	srdreg.scid  }
0x8b: {  	s0 =	sand.u32 $0x1, s1  }
0x8c: {  	s17 =	sshll.u32 s0, $0xA;
	s2 =	sadd.s32 s3, s2  }
0x8d: {  	s2 =	sadd.s32 s2, s17  }
0x8e: {  	[smem:$0x3FBC] =	sst s2  }
0x8f: {  	_ = 	snop  }
0x90: {  	s2 =	sld [smem:$0x3FC9]  }
0x91: {  	s18 =	sld [smem:$0x3FC8];
	(tm) =	ssettm $0x1  }
0x92: {  	s4 =	sld [smem:$0x3FFB];
	_ =	sdelay $0x3  }
0x93: {  	_ =	strace s4  }
0x94: {  	s4 =	sld [smem:$0x3FFC];
	_ =	sdelay $0x3  }
0x95: {  	_ =	strace s4  }
0x96: {  	s4 =	sld [smem:$0x3FFD];
	_ =	sdelay $0x3  }
0x97: {  	_ =	strace s4  }
0x98: {  	_ =	strace $0x8FFFFFFF  }
0x99: {  	s19 =	sld [smem:$0x3FDB];
	_ =	sdelay $0x1  }
0x9a: {  	s5 =	simm.s32 $_scs_section_size  }
0x9b: {  	s6 =	simm.s32 $_size__tile_overlayer_lowered;
	s7 =	simm.s32 $_tile_overlayer_lowered  }
0x9c: {  	s22 =	simm.s32 $0x1BFF;
	s21 =	sshll.u32 s7, $0x1;
	s4 =	sadd.s32 s5, s19  }
0x9d: {  	s8 =	simm.s32 $0x0;
	s20 =	sshll.u32 s6, $0x1;
	s6 =	sadd.s32 s21, s4  }
0x9e: {  	[timem:s8], [sflag:s22] =	dma.local [hbm:s6], s20  }
0x9f: {  	_ =	swait.ge [sflag:s22], s20  }
0xa0: {  	s5 =	ssub.s32 $0x0, s20;
	[sflag:s22] =	ssyncset.done $0x0  }
0xa1: {  	[sflag:s22] =	ssyncadd.s32 s5;
	_ =	sdelay $0x1  }
0xa2: {  	s23 =	simm.s32 $0x1B8B  }
0xa3: {  	_ =	swait.ge [sflag:s23], $0x1  }
0xa4: {  	[sflag:s23] =	ssyncset.done $0x0  }
0xa5: {  	s25 =	simm.s32 $0x1B8E;
	s24 =	sld [smem:$0x3FFE];
	[sflag:s23] =	ssyncadd.s32 $0xFFFFFFFF  }
0xa6: {  	s26 =	simm.s32 $execute0_lowered;
	[smem:$0x3FD2] =	sst s25  }
0xa7: {  	s6 =	sshll.u32 s26, $0x1;
	_ =	strace $0x80000046;
	[dreg:$0x1] =	wrdreg $0xFFFFFFFF  }
0xa8: {  	s28 =	simm.s32 $_size_execute0_lowered;
	s4 =	sadd.s32 s4, s6;
	[dreg:$0x0] =	wrdreg $0x0  }
0xa9: {  	s6 =	sshll.u32 s28, $0x1;
	[dreg:$0x2] =	wrdreg s4  }
0xaa: {  	[dreg:$0x3] =	wrdreg s6  }
0xab: {  	[dreg:$0x4] =	wrdreg $0xC0  }
0xac: {  	_ =	task [dreg:s8], $0x5FFFF  }
0xad: {  	[dreg:$0x1] =	wrdreg $0xFFFFFFFF  }
0xae: {  	[dreg:$0x0] =	wrdreg $0x60  }
0xaf: {  	[dreg:$0x2] =	wrdreg s2  }
0xb0: {  	[dreg:$0x3] =	wrdreg s18  }
0xb1: {  	[dreg:$0x4] =	wrdreg s24  }
0xb2: {  	[dreg:$0x5] =	wrdreg $0x9  }
0xb3: {  	_ =	task.clear_ibuf [dreg:s8], $0x6FFFF;
	_ =	strace $0x90000046  }
0xb4: {  	s29 =	simm.s32 $0x9;
	_ =	strace $0x80000048  }
0xb5: {  	_ =	swait.ge [sflag:s29], $0x1  }
0xb6: {  	[sflag:s29] =	ssyncadd.s32 $0xFFFFFFFF  }
0xb7: {  	_ =	strace $0x90000048  }
0xb8: {  	_ =	sfence  }
0xb9: {  	s30 =	sld [smem:$0x0];
	_ =	sdelay $0x2  }
0xba: {  	s31 =	sshll.u32 s1, $0xD;
	s1 =	sshrl.u32 s1, $0x2  }
0xbb: {  	s3 =	sand.u32 $0x4000, s31;
	s1 =	sadd.s32 s1, s30  }
0xbc: {  	s0 =	sor.u32 s3, s0;
	s1 =	sshll.u32 s1, $0x11  }
0xbd: {  	s0 =	sor.u32 s1, s0  }
0xbe: {  	s0 =	sadd.s32 $0x8F2B, s0  }
0xbf: {  	[sflag:s0] =	ssyncadd.remote.s32 $0x1  }
0xc0: {  	_ =	sfence.sel $0xFFFF  }
0xc1: {  	[dreg:$0x0] =	wrdreg $0xFFFFFFFF;
	(pc) =	sbr.abs _section_cstart, $3  }
0xc2: {  	[dreg:$0x1] =	wrdreg $0xFFFFFFFF  }
0xc3: {  	_ =	task.clear_ibuf [dreg:s8], $0x2FFFF;
	_ =	strace $0x9FFFFFFF  }
0xc4: {  	(tm) =	ssettm $0x7FFFFFFF  }
0xc5: {  	_ =	shalt  }
tec
execute0_lowered:
.L_overlay_start_1:
0x0: {  	(tag) =	ssettag $0x1  }
0x1: {  	s0 =	rddreg [dreg:$0x0]  }
0x2: {  	s2 =	rddreg [dreg:$0x1]  }
0x3: {  	s5 =	rddreg [dreg:$0x2];
	s1 =	simm.s32 $0x0;
	s6 =	srdreg.scid  }
0x4: {  	s8 =	stileid.u32;
	[smem:$0x7FF] =	sst s1;
	s3 =	sadd.s32 $0x1400, s5  }
0x5: {  	s4 =	sadd.s32 $0xF43800, s5;
	s6 =	sand.u32 $0x1, s6;
	s8 =	sshll.u32 s8, $0xA  }
0x6: {  	s9 =	sadd.s32 $0x10CA200, s5;
	s7 =	ssub.s32 $0x2, s6;
	s6 =	sshll.u32 s6, $0x9  }
0x7: {  	_ =	strace $0x80000047;
	[dreg:$0xd] =	wrdreg s9;
	s6 =	sor.u32 s6, s8  }
0x8: {  	s5 =	sadd.s32 $0x110A200, s5;
	[dreg:$0xe] =	wrdreg s6;
	s6 =	sshrl.u32 s6, $0x3  }
0x9: {  	[dreg:$0xf] =	wrdreg s5;
	s28 =	sshrl.u32 s7, $0x1;
	s0 =	sadd.s32 s0, s6  }
0xa: {  	s29 =	ssub.s32 s7, s28;
	s30 =	sadd.s32 s2, s6;
	[dreg:$0x10] =	wrdreg s0  }
0xb: {  	s31 =	smax.u32 s29, $0x1;
	[dreg:$0x11] =	wrdreg s30  }
0xc: {  	s2 =	simm.s32 $0x0;
	[dreg:$0x12] =	wrdreg s31  }
.LBB2_1:
0xd: {  	[dreg:$0x13] =	wrdreg s2  }
0xe: {  	s0 =	rddreg [dreg:$0x10];
	s30 =	simm.s32 $0x3  }
0xf: {  	[tilespmem:s1], [sflag:$0x3] =	stream.linear.gather [hbm4b:s0+s1], $0x200, $0x38;
	[tilespmem:$0x8400] =	vst v63  }
0x10: {  	_ =	swait.ge [sflag:s30], $0x200  }
0x11: {  	[sflag:s30] =	ssyncset.done $0x0  }
0x12: {  	s10 =	simm.s32 $0x200;
	s31 =	rddreg [dreg:$0x11];
	[sflag:s30] =	ssyncadd.s32 $0xFFFFFE00  }
0x13: {  	[tilespmem:s10], [sflag:$0x3] =	stream.linear.gather [hbm4b:s31+s1], $0x200, $0x38;
	[tilespmem:$0x8400] =	vst v63  }
0x14: {  	_ =	swait.ge [sflag:s30], $0x200  }
0x15: {  	[sflag:s30] =	ssyncset.done $0x0  }
0x16: {  	s15 =	simm.s32 $0x0;
	s0 =	simm.s32 $0x0;
	[sflag:s30] =	ssyncadd.s32 $0xFFFFFE00  }
.LBB2_2:
0x17: {  	v0 =	vld [tilespmem:s15+$0x0]  }
0x18: {  	v2 =	vld [tilespmem:s10+$0x0];
	_ =	sdelay $0x3  }
0x19: {  	v1 =	vshll.u32 v0, $0x4  }
0x1a: {  	v63 =	vshll.u32 v2, $0x4;
	(v2sf) =	vpush v1, $0x0  }
0x1b: {  	(v2sf) =	vpush v63, $0x0  }
0x1c: {  	(v2sf) =	vpush v1, $0x1;
	_ =	sdelay $0x1  }
0x1d: {  	(v2sf) =	vpush v63, $0x1  }
0x1e: {  	(v2sf) =	vpush v1, $0x2;
	_ =	sdelay $0x1  }
0x1f: {  	(v2sf) =	vpush v63, $0x2;
	_ =	sdelay $0x1  }
0x20: {  	[dreg:$0x16] =	wrdreg s0;
	s13 =	sshll.u32 s0, $0x7;
	s22 =	simm.s32 $0x2000;
	(v2sf) =	vpush v1, $0x3  }
0x21: {  	s21 =	simm.s32 $0x0;
	s2 =	simm.s32 $0x4400;
	s6 =	simm.s32 $0x680  }
0x22: {  	s5 =	simm.s32 $0x880;
	s7 =	simm.s32 $0x400;
	s0 =	simm.s32 $0x4900  }
0x23: {  	s11 =	simm.s32 $0x580;
	s17 =	simm.s32 $0x480;
	s20 =	simm.s32 $0x4480  }
0x24: {  	s24 =	simm.s32 $0x500;
	s29 =	simm.s32 $0x4A00;
	[dreg:$0x14] =	wrdreg s10  }
0x25: {  	s31 =	simm.s32 $0xA00;
	[dreg:$0x15] =	wrdreg s15;
	s28 =	sadd.s32 $0x10, s15  }
0x26: {  	s30 =	simm.s32 $0xB00;
	s15 =	simm.s32 $0x4B00;
	s8 =	spop (v2sf);
	(v2sf) =	vpush v63, $0x3  }
0x27: {  	[dreg:$0x17] =	wrdreg s13;
	s8 =	sand.u32 $0x1FFFFFF0, s8;
	s9 =	spop (v2sf)  }
0x28: {  	s13 =	simm.s32 $0x600;
	(v2sf) =	vpush v1, $0x4;
	s8 =	sadd.s32 s3, s8;
	s16 =	spop (v2sf)  }
0x29: {  	(v2sf) =	vpush v63, $0x4;
	[tilespmem:s7], [sflag:$0x1] =	stream.linear.gather [hbm4b:s8+s1], $0x80, $0x38;
	[tilespmem:$0x8400] =	vst v63  }
0x2a: {  	s14 =	sand.u32 $0x1FFFFFF0, s9;
	s7 =	simm.s32 $0x4580;
	s12 =	spop (v2sf)  }
0x2b: {  	s8 =	sadd.s32 s4, s14;
	s9 =	sand.u32 $0x1FFFFFF0, s16;
	(v2sf) =	vpush v1, $0x5;
	s23 =	spop (v2sf)  }
0x2c: {  	[tilespmem:s2], [sflag:$0x2] =	stream.linear.gather [hbm4b:s8+s1], $0x80, $0x38;
	[tilespmem:$0x8400] =	vst v63  }
0x2d: {  	s18 =	sadd.s32 s3, s9;
	s19 =	sand.u32 $0x1FFFFFF0, s12;
	s25 =	spop (v2sf)  }
0x2e: {  	(v2sf) =	vpush v63, $0x5;
	[tilespmem:s17], [sflag:$0x1] =	stream.linear.gather [hbm4b:s18+s1], $0x80, $0x38;
	[tilespmem:$0x8400] =	vst v63  }
0x2f: {  	s9 =	sadd.s32 s4, s19;
	(v2sf) =	vpush v1, $0x6;
	s8 =	sand.u32 $0x1FFFFFF0, s23;
	s26 =	spop (v2sf)  }
0x30: {  	[tilespmem:s20], [sflag:$0x2] =	stream.linear.gather [hbm4b:s9+s1], $0x80, $0x38;
	[tilespmem:$0x8400] =	vst v63  }
0x31: {  	s8 =	sadd.s32 s3, s8;
	s12 =	sand.u32 $0x1FFFFFF0, s26;
	s9 =	sand.u32 $0x1FFFFFF0, s25  }
0x32: {  	[tilespmem:s24], [sflag:$0x1] =	stream.linear.gather [hbm4b:s8+s1], $0x80, $0x38;
	[tilespmem:$0x8400] =	vst v63  }
0x33: {  	(v2sf) =	vpush v63, $0x6;
	s17 =	simm.s32 $0x4600;
	s9 =	sadd.s32 s4, s9;
	s8 =	simm.s32 $0x4500  }
0x34: {  	[tilespmem:s8], [sflag:$0x2] =	stream.linear.gather [hbm4b:s9+s1], $0x80, $0x38;
	[tilespmem:$0x8400] =	vst v63  }
0x35: {  	s26 =	simm.s32 $0x700;
	s16 =	sadd.s32 s3, s12;
	s14 =	spop (v2sf)  }
0x36: {  	[tilespmem:s11], [sflag:$0x1] =	stream.linear.gather [hbm4b:s16+s1], $0x80, $0x38;
	[tilespmem:$0x8400] =	vst v63  }
0x37: {  	s24 =	simm.s32 $0x4680;
	(v2sf) =	vpush v1, $0x7;
	s2 =	sand.u32 $0x1FFFFFF0, s14;
	s18 =	spop (v2sf)  }
0x38: {  	s2 =	sadd.s32 s4, s2;
	s11 =	sand.u32 $0x1FFFFFF0, s18;
	s19 =	spop (v2sf)  }
0x39: {  	(v2sf) =	vpush v63, $0x7;
	[tilespmem:s7], [sflag:$0x2] =	stream.linear.gather [hbm4b:s2+s1], $0x80, $0x38;
	[tilespmem:$0x8400] =	vst v63  }
0x3a: {  	s14 =	simm.s32 $0xA80;
	(v2sf) =	vpush v1, $0x8;
	s20 =	sadd.s32 s3, s11;
	s25 =	spop (v2sf)  }
0x3b: {  	s23 =	sand.u32 $0x1FFFFFF0, s19;
	s19 =	simm.s32 $0x4700;
	s9 =	sand.u32 $0x1FFFFFF0, s25  }
0x3c: {  	(v2sf) =	vpush v63, $0x8;
	[tilespmem:s13], [sflag:$0x1] =	stream.linear.gather [hbm4b:s20+s1], $0x80, $0x38;
	[tilespmem:$0x8400] =	vst v63  }
0x3d: {  	s7 =	sadd.s32 s4, s23;
	s11 =	spop (v2sf);
	s8 =	sadd.s32 s3, s9  }
0x3e: {  	(v2sf) =	vpush v1, $0x9;
	s9 =	sand.u32 $0x1FFFFFF0, s11;
	s12 =	spop (v2sf);
	s11 =	simm.s32 $0x4A80  }
0x3f: {  	(v2sf) =	vpush v63, $0x9;
	[tilespmem:s17], [sflag:$0x2] =	stream.linear.gather [hbm4b:s7+s1], $0x80, $0x38;
	[tilespmem:$0x8400] =	vst v63  }
0x40: {  	s13 =	sadd.s32 s4, s9;
	s16 =	sand.u32 $0x1FFFFFF0, s12;
	s12 =	simm.s32 $0x800  }
0x41: {  	(v2sf) =	vpush v1, $0xA;
	[tilespmem:s6], [sflag:$0x1] =	stream.linear.gather [hbm4b:s8+s1], $0x80, $0x38;
	[tilespmem:$0x8400] =	vst v63  }
0x42: {  	s17 =	spop (v2sf);
	s18 =	sadd.s32 s3, s16;
	s7 =	simm.s32 $0x4780  }
0x43: {  	(v2sf) =	vpush v63, $0xA;
	[tilespmem:s24], [sflag:$0x2] =	stream.linear.gather [hbm4b:s13+s1], $0x80, $0x38;
	[tilespmem:$0x8400] =	vst v63  }
0x44: {  	s2 =	sand.u32 $0x1FFFFFF0, s17;
	s17 =	simm.s32 $0x4800;
	s6 =	simm.s32 $0x4980  }
0x45: {  	[tilespmem:s26], [sflag:$0x1] =	stream.linear.gather [hbm4b:s18+s1], $0x80, $0x38;
	[tilespmem:$0x8400] =	vst v63  }
0x46: {  	s2 =	sadd.s32 s4, s2;
	s24 =	simm.s32 $0x780;
	s20 =	spop (v2sf)  }
0x47: {  	(v2sf) =	vpush v1, $0xB;
	[tilespmem:s19], [sflag:$0x2] =	stream.linear.gather [hbm4b:s2+s1], $0x80, $0x38;
	[tilespmem:$0x8400] =	vst v63  }
0x48: {  	s8 =	sand.u32 $0x1FFFFFF0, s20;
	s23 =	spop (v2sf);
	s20 =	simm.s32 $0x4880  }
0x49: {  	(v2sf) =	vpush v63, $0xB;
	s25 =	sadd.s32 s3, s8;
	s26 =	sand.u32 $0x1FFFFFF0, s23;
	s9 =	spop (v2sf)  }
0x4a: {  	[tilespmem:s24], [sflag:$0x1] =	stream.linear.gather [hbm4b:s25+s1], $0x80, $0x38;
	[tilespmem:$0x8400] =	vst v63  }
0x4b: {  	s8 =	sadd.s32 s4, s26;
	s13 =	spop (v2sf);
	(v2sf) =	vpush v1, $0xC;
	s24 =	simm.s32 $0x900  }
0x4c: {  	[tilespmem:s7], [sflag:$0x2] =	stream.linear.gather [hbm4b:s8+s1], $0x80, $0x38;
	[tilespmem:$0x8400] =	vst v63  }
0x4d: {  	s16 =	spop (v2sf);
	(v2sf) =	vpush v63, $0xC;
	s7 =	sand.u32 $0x1FFFFFF0, s9;
	s8 =	sand.u32 $0x1FFFFFF0, s13  }
0x4e: {  	s19 =	sand.u32 $0x1FFFFFF0, s16;
	s23 =	spop (v2sf);
	s7 =	sadd.s32 s3, s7  }
0x4f: {  	[tilespmem:s12], [sflag:$0x1] =	stream.linear.gather [hbm4b:s7+s1], $0x80, $0x38;
	[tilespmem:$0x8400] =	vst v63  }
0x50: {  	s18 =	sadd.s32 s4, s8;
	s8 =	sadd.s32 s3, s19;
	s25 =	spop (v2sf)  }
0x51: {  	[tilespmem:s17], [sflag:$0x2] =	stream.linear.gather [hbm4b:s18+s1], $0x80, $0x38;
	[tilespmem:$0x8400] =	vst v63  }
0x52: {  	s19 =	simm.s32 $0x980;
	s7 =	sand.u32 $0x1FFFFFF0, s23;
	s26 =	spop (v2sf)  }
0x53: {  	[tilespmem:s5], [sflag:$0x1] =	stream.linear.gather [hbm4b:s8+s1], $0x80, $0x38;
	[tilespmem:$0x8400] =	vst v63  }
0x54: {  	s7 =	sadd.s32 s4, s7;
	s12 =	sand.u32 $0x1FFFFFF0, s26;
	s8 =	sand.u32 $0x1FFFFFF0, s25  }
0x55: {  	[tilespmem:s20], [sflag:$0x2] =	stream.linear.gather [hbm4b:s7+s1], $0x80, $0x38;
	[tilespmem:$0x8400] =	vst v63  }
0x56: {  	s26 =	sadd.s32 $0x10, s10;
	s8 =	sadd.s32 s3, s8;
	s13 =	spop (v2sf)  }
0x57: {  	[tilespmem:s24], [sflag:$0x1] =	stream.linear.gather [hbm4b:s8+s1], $0x80, $0x38;
	[tilespmem:$0x8400] =	vst v63  }
0x58: {  	s16 =	sadd.s32 s4, s12;
	(v2sf) =	vpush v1, $0xD;
	s17 =	sand.u32 $0x1FFFFFF0, s13;
	s18 =	spop (v2sf)  }
0x59: {  	(v2sf) =	vpush v63, $0xD;
	[tilespmem:s0], [sflag:$0x2] =	stream.linear.gather [hbm4b:s16+s1], $0x80, $0x38;
	[tilespmem:$0x8400] =	vst v63  }
0x5a: {  	s20 =	sadd.s32 s3, s17;
	s23 =	sand.u32 $0x1FFFFFF0, s18;
	(v2sf) =	vpush v1, $0xE;
	s25 =	spop (v2sf)  }
0x5b: {  	(v2sf) =	vpush v63, $0xE;
	[tilespmem:s19], [sflag:$0x1] =	stream.linear.gather [hbm4b:s20+s1], $0x80, $0x38;
	[tilespmem:$0x8400] =	vst v63  }
0x5c: {  	s24 =	sadd.s32 s4, s23;
	(v2sf) =	vpush v1, $0xF;
	s0 =	sand.u32 $0x1FFFFFF0, s25;
	s2 =	spop (v2sf)  }
0x5d: {  	(v2sf) =	vpush v63, $0xF;
	[tilespmem:s6], [sflag:$0x2] =	stream.linear.gather [hbm4b:s24+s1], $0x80, $0x38;
	[tilespmem:$0x8400] =	vst v63  }
.LBB2_3:
0x5e: {  	_ =	sdelay $0x4  }
0x5f: {  	s0 =	sadd.s32 s3, s0;
	s2 =	sand.u32 $0x1FFFFFF0, s2  }
0x60: {  	[tilespmem:s31], [sflag:$0x1] =	stream.linear.gather [hbm4b:s0+s1], $0x80, $0x38;
	[tilespmem:$0x8400] =	vst v63  }
0x61: {  	s6 =	sadd.s32 s4, s2  }
0x62: {  	[tilespmem:s29], [sflag:$0x2] =	stream.linear.gather [hbm4b:s6+s1], $0x80, $0x38;
	[tilespmem:$0x8400] =	vst v63  }
0x63: {  	s5 =	spop (v2sf)  }
0x64: {  	s7 =	sand.u32 $0x1FFFFFF0, s5;
	s8 =	spop (v2sf)  }
0x65: {  	s9 =	sadd.s32 s3, s7;
	s10 =	sand.u32 $0x1FFFFFF0, s8;
	s12 =	spop (v2sf)  }
0x66: {  	[tilespmem:s14], [sflag:$0x1] =	stream.linear.gather [hbm4b:s9+s1], $0x80, $0x38;
	[tilespmem:$0x8400] =	vst v63  }
0x67: {  	s13 =	sadd.s32 s4, s10;
	s14 =	sand.u32 $0x1FFFFFF0, s12;
	s16 =	spop (v2sf)  }
0x68: {  	[tilespmem:s11], [sflag:$0x2] =	stream.linear.gather [hbm4b:s13+s1], $0x80, $0x38;
	[tilespmem:$0x8400] =	vst v63  }
0x69: {  	s17 =	sadd.s32 s3, s14;
	s18 =	sand.u32 $0x1FFFFFF0, s16;
	s19 =	spop (v2sf)  }
0x6a: {  	[tilespmem:s30], [sflag:$0x1] =	stream.linear.gather [hbm4b:s17+s1], $0x80, $0x38;
	[tilespmem:$0x8400] =	vst v63  }
0x6b: {  	s20 =	sadd.s32 s4, s18;
	s23 =	sand.u32 $0x1FFFFFF0, s19;
	s24 =	spop (v2sf)  }
0x6c: {  	[tilespmem:s15], [sflag:$0x2] =	stream.linear.gather [hbm4b:s20+s1], $0x80, $0x38;
	[tilespmem:$0x8400] =	vst v63  }
0x6d: {  	s25 =	sadd.s32 $0xB80, s21;
	s2 =	sadd.s32 s3, s23;
	s5 =	sand.u32 $0x1FFFFFF0, s24  }
0x6e: {  	[tilespmem:s25], [sflag:$0x1] =	stream.linear.gather [hbm4b:s2+s1], $0x80, $0x38;
	[tilespmem:$0x8400] =	vst v63  }
0x6f: {  	s5 =	sadd.s32 s4, s5;
	s2 =	sadd.s32 $0x4B80, s21  }
0x70: {  	[tilespmem:s2], [sflag:$0x2] =	stream.linear.gather [hbm4b:s5+s1], $0x80, $0x38;
	[tilespmem:$0x8400] =	vst v63  }
0x71: {  	v0 =	vld [tilespmem:s28+$0x0]  }
0x72: {  	v2 =	vld [tilespmem:s26+$0x0];
	_ =	sdelay $0x3  }
0x73: {  	v1 =	vshll.u32 v0, $0x4  }
0x74: {  	v63 =	vshll.u32 v2, $0x4;
	(v2sf) =	vpush v1, $0x0  }
0x75: {  	s6 =	smov.u32 s22;
	(v2sf) =	vpush v63, $0x0  }
0x76: {  	p0 =	sne.s32 s22, $0xE000;
	s22 =	sadd.s32 $0x2000, s22;
	s21 =	sshra.s32 s6, $0x2;
	(v2sf) =	vpush v1, $0x1  }
0x77: {  	s0 =	sadd.s32 $0x680, s21;
	s7 =	sadd.s32 $0x880, s21;
	s9 =	sadd.s32 $0x400, s21  }
0x78: {  	s8 =	sadd.s32 $0x4900, s21;
	s19 =	sadd.s32 $0x580, s21;
	s18 =	sadd.s32 $0x4580, s21;
	(v2sf) =	vpush v63, $0x1  }
0x79: {  	s29 =	sadd.s32 $0x4A00, s21;
	s23 =	sadd.s32 $0x500, s21;
	s17 =	sadd.s32 $0x4600, s21  }
0x7a: {  	s14 =	sadd.s32 $0xA80, s21;
	s20 =	sadd.s32 $0x4680, s21;
	s13 =	sadd.s32 $0x700, s21;
	(v2sf) =	vpush v1, $0x2  }
0x7b: {  	s6 =	sadd.s32 $0x4980, s21;
	s11 =	sadd.s32 $0x4A80, s21;
	[dreg:$0xc] =	wrdreg s0  }
0x7c: {  	s12 =	sadd.s32 $0x4700, s21;
	s10 =	sadd.s32 $0x4880, s21;
	[dreg:$0x6] =	wrdreg s7;
	(v2sf) =	vpush v63, $0x2  }
0x7d: {  	s15 =	sadd.s32 $0x900, s21;
	s16 =	sadd.s32 $0x4800, s21;
	[dreg:$0x4] =	wrdreg s8  }
0x7e: {  	s31 =	sadd.s32 $0xA00, s21;
	s24 =	sadd.s32 $0x800, s21;
	[dreg:$0x5] =	wrdreg s6;
	(v2sf) =	vpush v1, $0x3  }
0x7f: {  	s30 =	sadd.s32 $0xB00, s21;
	s2 =	sadd.s32 $0x4400, s21;
	[dreg:$0x8] =	wrdreg s10  }
0x80: {  	s5 =	sadd.s32 $0x600, s21;
	s8 =	sadd.s32 $0x4480, s21;
	[dreg:$0x7] =	wrdreg s15;
	(v2sf) =	vpush v63, $0x3  }
0x81: {  	s0 =	sadd.s32 $0x4500, s21;
	s7 =	sadd.s32 $0x780, s21;
	[dreg:$0xa] =	wrdreg s16  }
0x82: {  	s10 =	sadd.s32 $0x480, s21;
	s6 =	sadd.s32 $0x4780, s21;
	[dreg:$0xb] =	wrdreg s24;
	(v2sf) =	vpush v1, $0x4  }
0x83: {  	s15 =	sadd.s32 $0x4B00, s21;
	s24 =	sadd.s32 $0x980, s21;
	s16 =	spop (v2sf)  }
0x84: {  	[dreg:$0x9] =	wrdreg s24;
	s16 =	sand.u32 $0x1FFFFFF0, s16;
	s25 =	spop (v2sf);
	(v2sf) =	vpush v63, $0x4  }
0x85: {  	s16 =	sadd.s32 s3, s16;
	s24 =	sand.u32 $0x1FFFFFF0, s25;
	s25 =	spop (v2sf)  }
0x86: {  	(v2sf) =	vpush v1, $0x5;
	[tilespmem:s9], [sflag:$0x1] =	stream.linear.gather [hbm4b:s16+s1], $0x80, $0x38;
	[tilespmem:$0x8400] =	vst v63  }
0x87: {  	s16 =	sadd.s32 s4, s24;
	s24 =	sand.u32 $0x1FFFFFF0, s25;
	s25 =	spop (v2sf);
	(v2sf) =	vpush v63, $0x5  }
0x88: {  	[tilespmem:s2], [sflag:$0x2] =	stream.linear.gather [hbm4b:s16+s1], $0x80, $0x38;
	[tilespmem:$0x8400] =	vst v63  }
0x89: {  	s16 =	sadd.s32 s3, s24;
	s24 =	sand.u32 $0x1FFFFFF0, s25;
	s25 =	spop (v2sf);
	(v2sf) =	vpush v1, $0x6  }
0x8a: {  	[tilespmem:s10], [sflag:$0x1] =	stream.linear.gather [hbm4b:s16+s1], $0x80, $0x38;
	[tilespmem:$0x8400] =	vst v63  }
0x8b: {  	s10 =	sadd.s32 s4, s24;
	s24 =	sand.u32 $0x1FFFFFF0, s25;
	s25 =	spop (v2sf);
	(v2sf) =	vpush v63, $0x6  }
0x8c: {  	[tilespmem:s8], [sflag:$0x2] =	stream.linear.gather [hbm4b:s10+s1], $0x80, $0x38;
	[tilespmem:$0x8400] =	vst v63  }
0x8d: {  	s9 =	sadd.s32 s3, s24;
	s16 =	spop (v2sf);
	(v2sf) =	vpush v1, $0x7;
	s10 =	sand.u32 $0x1FFFFFF0, s25  }
0x8e: {  	[tilespmem:s23], [sflag:$0x1] =	stream.linear.gather [hbm4b:s9+s1], $0x80, $0x38;
	[tilespmem:$0x8400] =	vst v63  }
0x8f: {  	s24 =	sand.u32 $0x1FFFFFF0, s16;
	s25 =	spop (v2sf);
	s23 =	sadd.s32 s4, s10  }
0x90: {  	(v2sf) =	vpush v63, $0x7;
	[tilespmem:s0], [sflag:$0x2] =	stream.linear.gather [hbm4b:s23+s1], $0x80, $0x38;
	[tilespmem:$0x8400] =	vst v63  }
0x91: {  	s2 =	sadd.s32 s3, s24;
	s8 =	sand.u32 $0x1FFFFFF0, s25;
	s9 =	spop (v2sf)  }
0x92: {  	(v2sf) =	vpush v1, $0x8;
	[tilespmem:s19], [sflag:$0x1] =	stream.linear.gather [hbm4b:s2+s1], $0x80, $0x38;
	[tilespmem:$0x8400] =	vst v63  }
0x93: {  	s26 =	sadd.s32 $0x10, s26;
	s10 =	sadd.s32 s4, s8;
	s19 =	spop (v2sf)  }
0x94: {  	[tilespmem:s18], [sflag:$0x2] =	stream.linear.gather [hbm4b:s10+s1], $0x80, $0x38;
	[tilespmem:$0x8400] =	vst v63  }
0x95: {  	s28 =	sadd.s32 $0x10, s28;
	s16 =	sand.u32 $0x1FFFFFF0, s9;
	s25 =	spop (v2sf)  }
0x96: {  	s23 =	sadd.s32 s3, s16;
	(v2sf) =	vpush v63, $0x8;
	s24 =	sand.u32 $0x1FFFFFF0, s19;
	s10 =	spop (v2sf)  }
0x97: {  	(v2sf) =	vpush v1, $0x9;
	[tilespmem:s5], [sflag:$0x1] =	stream.linear.gather [hbm4b:s23+s1], $0x80, $0x38;
	[tilespmem:$0x8400] =	vst v63  }
0x98: {  	s9 =	sand.u32 $0x1FFFFFF0, s25;
	s5 =	sadd.s32 s4, s24;
	s18 =	spop (v2sf)  }
0x99: {  	(v2sf) =	vpush v63, $0x9;
	[tilespmem:s17], [sflag:$0x2] =	stream.linear.gather [hbm4b:s5+s1], $0x80, $0x38;
	[tilespmem:$0x8400] =	vst v63  }
0x9a: {  	s19 =	rddreg [dreg:$0xc];
	s16 =	sadd.s32 s3, s9;
	s25 =	spop (v2sf)  }
0x9b: {  	[tilespmem:s19], [sflag:$0x1] =	stream.linear.gather [hbm4b:s16+s1], $0x80, $0x38;
	[tilespmem:$0x8400] =	vst v63  }
0x9c: {  	s17 =	sand.u32 $0x1FFFFFF0, s10;
	s24 =	sand.u32 $0x1FFFFFF0, s18;
	s10 =	spop (v2sf)  }
0x9d: {  	(v2sf) =	vpush v1, $0xA;
	s23 =	sadd.s32 s4, s17;
	s8 =	sadd.s32 s3, s24;
	s16 =	sand.u32 $0x1FFFFFF0, s10  }
0x9e: {  	[tilespmem:s20], [sflag:$0x2] =	stream.linear.gather [hbm4b:s23+s1], $0x80, $0x38;
	[tilespmem:$0x8400] =	vst v63  }
0x9f: {  	(v2sf) =	vpush v63, $0xA;
	s9 =	sand.u32 $0x1FFFFFF0, s25;
	s17 =	spop (v2sf);
	s18 =	sadd.s32 s3, s16  }
0xa0: {  	[tilespmem:s13], [sflag:$0x1] =	stream.linear.gather [hbm4b:s8+s1], $0x80, $0x38;
	[tilespmem:$0x8400] =	vst v63  }
0xa1: {  	(v2sf) =	vpush v1, $0xB;
	s19 =	sand.u32 $0x1FFFFFF0, s17;
	s20 =	spop (v2sf);
	s13 =	sadd.s32 s4, s9  }
0xa2: {  	[tilespmem:s12], [sflag:$0x2] =	stream.linear.gather [hbm4b:s13+s1], $0x80, $0x38;
	[tilespmem:$0x8400] =	vst v63  }
0xa3: {  	(v2sf) =	vpush v63, $0xB;
	s23 =	sadd.s32 s4, s19;
	s19 =	rddreg [dreg:$0x6];
	s24 =	sand.u32 $0x1FFFFFF0, s20  }
0xa4: {  	[tilespmem:s7], [sflag:$0x1] =	stream.linear.gather [hbm4b:s18+s1], $0x80, $0x38;
	[tilespmem:$0x8400] =	vst v63  }
0xa5: {  	s8 =	rddreg [dreg:$0xb];
	s2 =	sadd.s32 s3, s24;
	s25 =	spop (v2sf)  }
0xa6: {  	(v2sf) =	vpush v1, $0xC;
	s13 =	rddreg [dreg:$0xa];
	s5 =	sand.u32 $0x1FFFFFF0, s25;
	s7 =	spop (v2sf)  }
0xa7: {  	[tilespmem:s6], [sflag:$0x2] =	stream.linear.gather [hbm4b:s23+s1], $0x80, $0x38;
	[tilespmem:$0x8400] =	vst v63  }
0xa8: {  	(v2sf) =	vpush v63, $0xC;
	s25 =	rddreg [dreg:$0x8];
	s10 =	sand.u32 $0x1FFFFFF0, s7;
	s12 =	spop (v2sf)  }
0xa9: {  	[tilespmem:s8], [sflag:$0x1] =	stream.linear.gather [hbm4b:s2+s1], $0x80, $0x38;
	[tilespmem:$0x8400] =	vst v63  }
0xaa: {  	s9 =	sadd.s32 s4, s5;
	s16 =	sadd.s32 s3, s10;
	s17 =	sand.u32 $0x1FFFFFF0, s12  }
0xab: {  	[tilespmem:s13], [sflag:$0x2] =	stream.linear.gather [hbm4b:s9+s1], $0x80, $0x38;
	[tilespmem:$0x8400] =	vst v63  }
0xac: {  	s10 =	rddreg [dreg:$0x7];
	s18 =	spop (v2sf);
	s20 =	sadd.s32 s4, s17  }
0xad: {  	[tilespmem:s19], [sflag:$0x1] =	stream.linear.gather [hbm4b:s16+s1], $0x80, $0x38;
	[tilespmem:$0x8400] =	vst v63  }
0xae: {  	s17 =	rddreg [dreg:$0x4];
	s23 =	sand.u32 $0x1FFFFFF0, s18;
	s24 =	spop (v2sf)  }
0xaf: {  	[tilespmem:s25], [sflag:$0x2] =	stream.linear.gather [hbm4b:s20+s1], $0x80, $0x38;
	[tilespmem:$0x8400] =	vst v63  }
0xb0: {  	s7 =	sadd.s32 s3, s23;
	s8 =	sand.u32 $0x1FFFFFF0, s24;
	s9 =	spop (v2sf)  }
0xb1: {  	[tilespmem:s10], [sflag:$0x1] =	stream.linear.gather [hbm4b:s7+s1], $0x80, $0x38;
	[tilespmem:$0x8400] =	vst v63  }
0xb2: {  	s23 =	rddreg [dreg:$0x9];
	s12 =	sadd.s32 s4, s8;
	s16 =	spop (v2sf)  }
0xb3: {  	(v2sf) =	vpush v1, $0xD;
	[tilespmem:s17], [sflag:$0x2] =	stream.linear.gather [hbm4b:s12+s1], $0x80, $0x38;
	[tilespmem:$0x8400] =	vst v63  }
.Ltmp0:
0xb4: {  	(v2sf) =	vpush v63, $0xD;
	s13 =	sand.u32 $0x1FFFFFF0, s9;
	s19 =	sand.u32 $0x1FFFFFF0, s16;
	(pc) =	sbr.rel @p0 .LBB2_3-.Ltmp0, $4  }
0xb5: {  	(v2sf) =	vpush v1, $0xE;
	s18 =	sadd.s32 s3, s13;
	s20 =	spop (v2sf);
	s24 =	sadd.s32 s4, s19  }
0xb6: {  	(v2sf) =	vpush v63, $0xE;
	[tilespmem:s23], [sflag:$0x1] =	stream.linear.gather [hbm4b:s18+s1], $0x80, $0x38;
	[tilespmem:$0x8400] =	vst v63  }
0xb7: {  	(v2sf) =	vpush v1, $0xF;
	s25 =	rddreg [dreg:$0x5];
	s0 =	sand.u32 $0x1FFFFFF0, s20;
	s2 =	spop (v2sf)  }
0xb8: {  	(v2sf) =	vpush v63, $0xF;
	[tilespmem:s25], [sflag:$0x2] =	stream.linear.gather [hbm4b:s24+s1], $0x80, $0x38;
	[tilespmem:$0x8400] =	vst v63  }
0xb9: {  	_ =	sdelay $0x4  }
0xba: {  	s0 =	sadd.s32 s3, s0;
	s2 =	sand.u32 $0x1FFFFFF0, s2  }
0xbb: {  	[tilespmem:s31], [sflag:$0x1] =	stream.linear.gather [hbm4b:s0+s1], $0x80, $0x38;
	[tilespmem:$0x8400] =	vst v63  }
0xbc: {  	s26 =	sadd.s32 s4, s2  }
0xbd: {  	[tilespmem:s29], [sflag:$0x2] =	stream.linear.gather [hbm4b:s26+s1], $0x80, $0x38;
	[tilespmem:$0x8400] =	vst v63  }
0xbe: {  	s5 =	spop (v2sf)  }
0xbf: {  	s28 =	sand.u32 $0x1FFFFFF0, s5;
	s31 =	spop (v2sf)  }
0xc0: {  	s2 =	sadd.s32 s3, s28;
	s5 =	sand.u32 $0x1FFFFFF0, s31;
	s6 =	spop (v2sf)  }
0xc1: {  	[tilespmem:s14], [sflag:$0x1] =	stream.linear.gather [hbm4b:s2+s1], $0x80, $0x38;
	[tilespmem:$0x8400] =	vst v63  }
0xc2: {  	s7 =	sadd.s32 s4, s5;
	s8 =	sand.u32 $0x1FFFFFF0, s6;
	s9 =	spop (v2sf)  }
0xc3: {  	[tilespmem:s11], [sflag:$0x2] =	stream.linear.gather [hbm4b:s7+s1], $0x80, $0x38;
	[tilespmem:$0x8400] =	vst v63  }
0xc4: {  	s10 =	sadd.s32 s3, s8;
	s12 =	spop (v2sf);
	s11 =	sand.u32 $0x1FFFFFF0, s9  }
0xc5: {  	[tilespmem:s30], [sflag:$0x1] =	stream.linear.gather [hbm4b:s10+s1], $0x80, $0x38;
	[tilespmem:$0x8400] =	vst v63  }
0xc6: {  	s14 =	sand.u32 $0x1FFFFFF0, s12;
	s16 =	spop (v2sf);
	s13 =	sadd.s32 s4, s11  }
0xc7: {  	[tilespmem:s15], [sflag:$0x2] =	stream.linear.gather [hbm4b:s13+s1], $0x80, $0x38;
	[tilespmem:$0x8400] =	vst v63  }
0xc8: {  	s17 =	sadd.s32 $0xB80, s21;
	s2 =	sadd.s32 s3, s14;
	s5 =	sand.u32 $0x1FFFFFF0, s16  }
0xc9: {  	[tilespmem:s17], [sflag:$0x1] =	stream.linear.gather [hbm4b:s2+s1], $0x80, $0x38;
	[tilespmem:$0x8400] =	vst v63  }
0xca: {  	s18 =	sadd.s32 $0x4B80, s21;
	s20 =	simm.s32 $0x1;
	s19 =	sadd.s32 s4, s5  }
0xcb: {  	[tilespmem:s18], [sflag:$0x2] =	stream.linear.gather [hbm4b:s19+s1], $0x80, $0x38;
	[tilespmem:$0x8400] =	vst v63  }
0xcc: {  	_ =	swait.ge [sflag:s20], $0x4000  }
0xcd: {  	[sflag:s20] =	ssyncset.done $0x0  }
0xce: {  	s21 =	simm.s32 $0x2;
	[sflag:s20] =	ssyncadd.s32 $0xFFFFC000  }
0xcf: {  	_ =	swait.ge [sflag:s21], $0x4000  }
0xd0: {  	s22 =	rddreg [dreg:$0xe]  }
0xd1: {  	s23 =	rddreg [dreg:$0x17]  }
0xd2: {  	s25 =	simm.s32 $0x400;
	s0 =	sor.u32 s22, s23  }
0xd3: {  	[sflag:s21] =	ssyncset.done $0x0;
	s24 =	rddreg [dreg:$0xd];
	s0 =	sshll.u32 s0, $0x4  }
0xd4: {  	s26 =	simm.s32 $0x3;
	[sflag:s21] =	ssyncadd.s32 $0xFFFFC000;
	s2 =	sadd.s32 s24, s0  }
0xd5: {  	[hbm4b:s2+s1] =	stream.linear.scatter [tilespmem:s25], [sflag:$0x3], $0x4000, $0x38;
	[tilespmem:$0x8400] =	vst v63  }
0xd6: {  	_ =	swait.ge [sflag:s26], $0x4000  }
0xd7: {  	[sflag:s26] =	ssyncset.done $0x0;
	s28 =	rddreg [dreg:$0xf]  }
0xd8: {  	s29 =	simm.s32 $0x4400;
	[sflag:s26] =	ssyncadd.s32 $0xFFFFC000;
	s0 =	sadd.s32 s28, s0  }
0xd9: {  	[hbm4b:s0+s1] =	stream.linear.scatter [tilespmem:s29], [sflag:$0x3], $0x4000, $0x38;
	[tilespmem:$0x8400] =	vst v63  }
0xda: {  	_ =	swait.ge [sflag:s26], $0x4000  }
0xdb: {  	s30 =	rddreg [dreg:$0x16]  }
0xdc: {  	s0 =	sadd.s32 $0x1, s30  }
0xdd: {  	p0 =	sne.s32 s0, $0x4  }
.Ltmp1:
0xde: {  	_ = 	snop;
	(pc) =	sbr.rel @p0 .LBB2_2-.Ltmp1, $4  }
0xdf: {  	_ = 	snop  }
0xe0: {  	s10 =	rddreg [dreg:$0x14]  }
0xe1: {  	[sflag:s26] =	ssyncset.done $0x0;
	s31 =	rddreg [dreg:$0x15]  }
0xe2: {  	[sflag:s26] =	ssyncadd.s32 $0xFFFFC000;
	s10 =	sadd.s32 $0x80, s10;
	s15 =	sadd.s32 $0x80, s31  }
0xe3: {  	s2 =	rddreg [dreg:$0x13]  }
0xe4: {  	s0 =	rddreg [dreg:$0x12];
	s2 =	sadd.s32 $0x1, s2  }
0xe5: {  	p0 =	sne.s32 s2, s0  }
.Ltmp2:
0xe6: {  	_ = 	snop;
	(pc) =	sbr.rel @p0 .LBB2_1-.Ltmp2, $1  }
0xe7: {  	_ =	sdelay $0x3  }
0xe8: {  	_ =	sfence.sel $0x180000  }
0xe9: {  	[bflag:$0x0] =	sbarrier.arrive $0xFFFF  }
0xea: {  	_ =	strace $0x90000047  }
0xeb: {  	s0 =	stileid.u32;
	[bflag:$0x2] =	sbarrier.arrive $0xFFFF  }
0xec: {  	p0 =	sne.s32 s0, $0x0;
	s0 =	rddreg [dreg:$0x3]  }
0xed: {  	s0 =	sadd.s32 @!p0 $0x100000, s0  }
0xee: {  	[sflag:s0] =	ssyncadd.tile.s32 @!p0 $0x1;
	_ =	shalt  }
.Lfunc_end2:
_tile_overlayer_lowered:
.L_overlay_start_2:
0xef: {  	(tag) =	ssettag $0x2  }
0xf0: {  	s0 =	rddreg [dreg:$0x0];
	s2 =	stileid.u32  }
0xf1: {  	s1 =	rddreg [dreg:$0x1];
	p0 =	sne.s32 s2, $0x0  }
0xf2: {  	s3 =	rddreg [dreg:$0x2];
	[bflag:$0x3] =	sbarrier.arrive $0xFFFF;
	s2 =	simm.s32 @!p0 $0x1C03  }
0xf3: {  	[timem:s3], [sflag:s2] =	dma.local @!p0 [hbm:s0], s1  }
0xf4: {  	s0 =	simm.s32 @!p0 $0x3  }
0xf5: {  	_ =	swait.ge @!p0 [sflag:s0], s1  }
0xf6: {  	s1 =	ssub.s32 @!p0 $0x0, s1;
	[sflag:s0] =	ssyncset.done @!p0 $0x0  }
0xf7: {  	[sflag:s0] =	ssyncadd.s32 @!p0 s1  }
0xf8: {  	[bflag:$0x3] =	sbarrier.arrive $0xFFFF  }
0xf9: {  	_ =	shalt  }

</sc_bundles>
